<compile_context>
chip_gen: v7x
topology: tpu7x:2x2x1
jax: 0.10.2.dev20260603
libtpu: 0.0.44.dev20260713+nightly
codegen_flags: <defaults>
</compile_context>

<pallas_src>
import functools

import jax
import jax.numpy as jnp
from jax import lax
from jax.experimental import pallas as pl
from jax.experimental.pallas import tpu as pltpu
from jax.experimental.pallas import tpu_sc as plsc

D_MODEL = 128
NSLOT = 8


@functools.lru_cache(maxsize=None)
def _num_workers():
    info = plsc.get_sparse_core_info()
    return info.num_cores, info.num_subcores


def _add_kernel(a_ref, b_ref, o_ref):
    o_ref[...] = a_ref[...] + b_ref[...]


def _sum_tables(a, b):
    n, d = a.shape
    blk = 4000
    grid = n // blk
    return pl.pallas_call(
        _add_kernel,
        out_shape=jax.ShapeDtypeStruct((n, d), a.dtype),
        grid=(grid,),
        in_specs=[
            pl.BlockSpec((blk, d), lambda i: (i, 0)),
            pl.BlockSpec((blk, d), lambda i: (i, 0)),
        ],
        out_specs=pl.BlockSpec((blk, d), lambda i: (i, 0)),
    )(a, b)


@functools.lru_cache(maxsize=None)
def _make_gather(n_batch, s, d):
    nc, ns = _num_workers()
    nw = nc * ns
    per_w = n_batch // nw
    n_rounds = per_w // NSLOT

    mesh = plsc.VectorSubcoreMesh(core_axis_name="c", subcore_axis_name="s")

    @functools.partial(
        pl.kernel,
        out_type=jax.ShapeDtypeStruct((n_batch, s, d), jnp.float32),
        mesh=mesh,
        compiler_params=pltpu.CompilerParams(use_tc_tiling_on_sc=True),
        scratch_types=[
            pltpu.VMEM((per_w, d), jnp.int32),
            [pltpu.VMEM((s, d), jnp.float32) for _ in range(NSLOT)],
            [pltpu.SemaphoreType.DMA for _ in range(NSLOT)],
            [pltpu.SemaphoreType.DMA for _ in range(NSLOT)],
        ],
    )
    def gather_kernel(x_hbm, tab_hbm, out_hbm, idx_v, bufs, gsems, wsems):
        wid = lax.axis_index("s") * nc + lax.axis_index("c")
        b0 = wid * per_w
        pltpu.sync_copy(x_hbm.at[wid], idx_v)

        def fire_gather(bb, k):
            pltpu.async_copy(
                tab_hbm.at[idx_v.at[bb, pl.ds(0, s)]], bufs[k], gsems[k]
            )

        def wait_gather(k):
            pltpu.make_async_copy(
                tab_hbm.at[idx_v.at[0, pl.ds(0, s)]], bufs[k], gsems[k]
            ).wait()

        def fire_write(bb, k):
            pltpu.async_copy(bufs[k], out_hbm.at[b0 + bb], wsems[k])

        def wait_write(k):
            pltpu.make_async_copy(bufs[k], out_hbm.at[0], wsems[k]).wait()

        for k in range(NSLOT):
            fire_gather(k, k)

        def body(i, carry):
            base = i * NSLOT
            for k in range(NSLOT):
                wait_gather(k)
                fire_write(base + k, k)

            @pl.when(i < n_rounds - 1)
            def _refill():
                for k in range(NSLOT):
                    wait_write(k)
                    fire_gather(base + NSLOT + k, k)

            return carry

        lax.fori_loop(0, n_rounds, body, 0)
        for k in range(NSLOT):
            wait_write(k)

    return gather_kernel


def kernel(x, token_table, pos_table):
    summed = _sum_tables(token_table, pos_table)
    b, s = x.shape
    nc, ns = _num_workers()
    nw = nc * ns
    xp = jnp.pad(x.astype(jnp.int32), ((0, 0), (0, D_MODEL - s)))
    x3d = xp.reshape(nw, b // nw, D_MODEL)
    out = _make_gather(b, s, D_MODEL)(x3d, summed)
    return out

# --- scband reference (transcript-rebuilt; emitter-appended) ---
"""Pipeline reference for scband-token-embeddings-with-learned-positional-embeddings-59854664237233 (READ-ONLY COPY).

The authoritative reference and input builder live on the scoring server;
editing this copy changes nothing except your own understanding.
"""

import jax, jax.numpy as jnp
import numpy as np

N_TOKENS = 100000
D_MODEL = 128

def setup_inputs(seed: int = 0) -> dict:
    key = jax.random.key(seed)
    k_idx, k_tok, k_pos = jax.random.split(key, 3)
    x = jax.random.randint(k_idx, (4096, 50), 0, N_TOKENS, dtype=jnp.int64 if jax.config.jax_enable_x64 else jnp.int32)
    token_table = jax.random.normal(k_tok, (N_TOKENS, D_MODEL), dtype=jnp.float32)
    pos_table = jax.random.normal(k_pos, (N_TOKENS, D_MODEL), dtype=jnp.float32)
    return {"x": x, "token_table": token_table, "pos_table": pos_table}

def reference(x, token_table, pos_table):
    # Faithful to the torch module: positional embeddings are ALSO indexed by x
    token_embeddings = jnp.take(token_table, x, axis=0)
    positional_encodings = jnp.take(pos_table, x, axis=0)
    return token_embeddings + positional_encodings

if __name__ == "__main__":
    import jax
    _d = setup_inputs()
    print(jax.jit(kernel)(*tuple(_d.values())))

</pallas_src>

<mosaic_0001>
#map = affine_map<(d0, d1) -> (0, 0, 0)>
#map1 = affine_map<(d0, d1) -> (0, 0)>
module attributes {stable_mosaic.version = 14 : i64} {
  func.func @gather_kernel(%arg0: i32, %arg1: i32, %arg2: memref<32x128x128xi32, #tpu.memory_space<hbm>>, %arg3: memref<100000x128xf32, #tpu.memory_space<hbm>>, %arg4: memref<4096x50x128xf32, #tpu.memory_space<hbm>>, %arg5: memref<128x128xi32, #tpu.memory_space<vmem>>, %arg6: memref<50x128xf32, #tpu.memory_space<vmem>>, %arg7: memref<50x128xf32, #tpu.memory_space<vmem>>, %arg8: memref<50x128xf32, #tpu.memory_space<vmem>>, %arg9: memref<50x128xf32, #tpu.memory_space<vmem>>, %arg10: memref<50x128xf32, #tpu.memory_space<vmem>>, %arg11: memref<50x128xf32, #tpu.memory_space<vmem>>, %arg12: memref<50x128xf32, #tpu.memory_space<vmem>>, %arg13: memref<50x128xf32, #tpu.memory_space<vmem>>, %arg14: memref<!tpu.dma_semaphore, #tpu.memory_space<semaphore_mem>>, %arg15: memref<!tpu.dma_semaphore, #tpu.memory_space<semaphore_mem>>, %arg16: memref<!tpu.dma_semaphore, #tpu.memory_space<semaphore_mem>>, %arg17: memref<!tpu.dma_semaphore, #tpu.memory_space<semaphore_mem>>, %arg18: memref<!tpu.dma_semaphore, #tpu.memory_space<semaphore_mem>>, %arg19: memref<!tpu.dma_semaphore, #tpu.memory_space<semaphore_mem>>, %arg20: memref<!tpu.dma_semaphore, #tpu.memory_space<semaphore_mem>>, %arg21: memref<!tpu.dma_semaphore, #tpu.memory_space<semaphore_mem>>, %arg22: memref<!tpu.dma_semaphore, #tpu.memory_space<semaphore_mem>>, %arg23: memref<!tpu.dma_semaphore, #tpu.memory_space<semaphore_mem>>, %arg24: memref<!tpu.dma_semaphore, #tpu.memory_space<semaphore_mem>>, %arg25: memref<!tpu.dma_semaphore, #tpu.memory_space<semaphore_mem>>, %arg26: memref<!tpu.dma_semaphore, #tpu.memory_space<semaphore_mem>>, %arg27: memref<!tpu.dma_semaphore, #tpu.memory_space<semaphore_mem>>, %arg28: memref<!tpu.dma_semaphore, #tpu.memory_space<semaphore_mem>>, %arg29: memref<!tpu.dma_semaphore, #tpu.memory_space<semaphore_mem>>) attributes {dimension_semantics = [#tpu.dimension_semantics<core_parallel>, #tpu.dimension_semantics<subcore_parallel>], iteration_bounds = array<i64: 2, 16>, scalar_prefetch = 0 : i64, scratch_operands = 25 : i64, tpu.core_type = #tpu.core_type<sc_vector_subcore>, window_params = [{transform_indices = #map}, {transform_indices = #map1}, {transform_indices = #map}]} {
    %mul3A = arith.constant 2 : i32
    %mul3A_0 = arith.muli %arg1, %mul3A : i32
    %add3A = arith.addi %mul3A_0, %arg0 : i32
    %mul3A_1 = arith.constant 128 : i32
    %mul3A_2 = arith.muli %add3A, %mul3A_1 : i32
    "tpu.region"() ({
      %run_scoped3A = tpu.sem_alloc : memref<!tpu.dma_semaphore, #tpu.memory_space<semaphore_mem>>
      %dma_start3A_134 = arith.constant 0 : i32
      %dma_start3A_135 = arith.constant 0 : i32
      %dma_start3A_136 = tpu.memref_slice %arg2[%add3A, %dma_start3A_134, %dma_start3A_135] : memref<32x128x128xi32, #tpu.memory_space<hbm>> -> memref<1x128x128xi32, #tpu.memory_space<hbm>>
      %dma_start3A_137 = tpu.memref_squeeze %dma_start3A_136 : memref<1x128x128xi32, #tpu.memory_space<hbm>> -> memref<128x128xi32, #tpu.memory_space<hbm>>
      %dma_start3A_138 = arith.constant 0 : i32
      %dma_start3A_139 = arith.constant 0 : i32
      %dma_start3A_140 = tpu.memref_slice %arg2[%add3A, %dma_start3A_138, %dma_start3A_139] : memref<32x128x128xi32, #tpu.memory_space<hbm>> -> memref<1x128x128xi32, #tpu.memory_space<hbm>>
      %dma_start3A_141 = tpu.memref_squeeze %dma_start3A_140 : memref<1x128x128xi32, #tpu.memory_space<hbm>> -> memref<128x128xi32, #tpu.memory_space<hbm>>
      tpu.enqueue_dma source(%dma_start3A_141 : memref<128x128xi32, #tpu.memory_space<hbm>>) target(%arg5 : memref<128x128xi32, #tpu.memory_space<vmem>>) target_semaphore(%run_scoped3A : memref<!tpu.dma_semaphore, #tpu.memory_space<semaphore_mem>>)
      %dma_wait3A_142 = arith.constant 0 : i32
      %dma_wait3A_143 = arith.constant 0 : i32
      %dma_wait3A_144 = tpu.memref_slice %arg2[%add3A, %dma_wait3A_142, %dma_wait3A_143] : memref<32x128x128xi32, #tpu.memory_space<hbm>> -> memref<1x128x128xi32, #tpu.memory_space<hbm>>
      %dma_wait3A_145 = tpu.memref_squeeze %dma_wait3A_144 : memref<1x128x128xi32, #tpu.memory_space<hbm>> -> memref<128x128xi32, #tpu.memory_space<hbm>>
      %dma_wait3A_146 = arith.constant 0 : i32
      %dma_wait3A_147 = arith.constant 0 : i32
      %dma_wait3A_148 = tpu.memref_slice %arg2[%add3A, %dma_wait3A_146, %dma_wait3A_147] : memref<32x128x128xi32, #tpu.memory_space<hbm>> -> memref<1x128x128xi32, #tpu.memory_space<hbm>>
      %dma_wait3A_149 = tpu.memref_squeeze %dma_wait3A_148 : memref<1x128x128xi32, #tpu.memory_space<hbm>> -> memref<128x128xi32, #tpu.memory_space<hbm>>
      tpu.wait_dma2 semaphore(%run_scoped3A : memref<!tpu.dma_semaphore, #tpu.memory_space<semaphore_mem>>) src(%dma_wait3A_149 : memref<128x128xi32, #tpu.memory_space<hbm>>) dst(%arg5 : memref<128x128xi32, #tpu.memory_space<vmem>>)
      tpu.yield
    }) : () -> ()
    %dma_start3A = arith.constant 0 : i32
    %dma_start3A_3 = arith.constant 0 : i32
    %dma_start3A_4 = tpu.memref_slice %arg5[%dma_start3A, %dma_start3A_3] : memref<128x128xi32, #tpu.memory_space<vmem>> -> memref<1x50xi32, #tpu.memory_space<vmem>>
    %dma_start3A_5 = tpu.memref_squeeze %dma_start3A_4 : memref<1x50xi32, #tpu.memory_space<vmem>> -> memref<50xi32, #tpu.memory_space<vmem>>
    %dma_start3A_6 = arith.constant 0 : i32
    %dma_start3A_7 = arith.constant 0 : i32
    %dma_start3A_8 = tpu.memref_slice %arg3[%dma_start3A_6, %dma_start3A_7] : memref<100000x128xf32, #tpu.memory_space<hbm>> -> memref<100000x128xf32, #tpu.memory_space<hbm>>
    tpu.enqueue_indirect_dma source(%dma_start3A_8 : memref<100000x128xf32, #tpu.memory_space<hbm>>) target(%arg6 : memref<50x128xf32, #tpu.memory_space<vmem>>) offsets(%dma_start3A_5 : memref<50xi32, #tpu.memory_space<vmem>>) semaphore(%arg14 : memref<!tpu.dma_semaphore, #tpu.memory_space<semaphore_mem>>)
    %dma_start3A_9 = arith.constant 1 : i32
    %dma_start3A_10 = arith.constant 0 : i32
    %dma_start3A_11 = tpu.memref_slice %arg5[%dma_start3A_9, %dma_start3A_10] : memref<128x128xi32, #tpu.memory_space<vmem>> -> memref<1x50xi32, #tpu.memory_space<vmem>>
    %dma_start3A_12 = tpu.memref_squeeze %dma_start3A_11 : memref<1x50xi32, #tpu.memory_space<vmem>> -> memref<50xi32, #tpu.memory_space<vmem>>
    %dma_start3A_13 = arith.constant 0 : i32
    %dma_start3A_14 = arith.constant 0 : i32
    %dma_start3A_15 = tpu.memref_slice %arg3[%dma_start3A_13, %dma_start3A_14] : memref<100000x128xf32, #tpu.memory_space<hbm>> -> memref<100000x128xf32, #tpu.memory_space<hbm>>
    tpu.enqueue_indirect_dma source(%dma_start3A_15 : memref<100000x128xf32, #tpu.memory_space<hbm>>) target(%arg7 : memref<50x128xf32, #tpu.memory_space<vmem>>) offsets(%dma_start3A_12 : memref<50xi32, #tpu.memory_space<vmem>>) semaphore(%arg15 : memref<!tpu.dma_semaphore, #tpu.memory_space<semaphore_mem>>)
    %dma_start3A_16 = arith.constant 2 : i32
    %dma_start3A_17 = arith.constant 0 : i32
    %dma_start3A_18 = tpu.memref_slice %arg5[%dma_start3A_16, %dma_start3A_17] : memref<128x128xi32, #tpu.memory_space<vmem>> -> memref<1x50xi32, #tpu.memory_space<vmem>>
    %dma_start3A_19 = tpu.memref_squeeze %dma_start3A_18 : memref<1x50xi32, #tpu.memory_space<vmem>> -> memref<50xi32, #tpu.memory_space<vmem>>
    %dma_start3A_20 = arith.constant 0 : i32
    %dma_start3A_21 = arith.constant 0 : i32
    %dma_start3A_22 = tpu.memref_slice %arg3[%dma_start3A_20, %dma_start3A_21] : memref<100000x128xf32, #tpu.memory_space<hbm>> -> memref<100000x128xf32, #tpu.memory_space<hbm>>
    tpu.enqueue_indirect_dma source(%dma_start3A_22 : memref<100000x128xf32, #tpu.memory_space<hbm>>) target(%arg8 : memref<50x128xf32, #tpu.memory_space<vmem>>) offsets(%dma_start3A_19 : memref<50xi32, #tpu.memory_space<vmem>>) semaphore(%arg16 : memref<!tpu.dma_semaphore, #tpu.memory_space<semaphore_mem>>)
    %dma_start3A_23 = arith.constant 3 : i32
    %dma_start3A_24 = arith.constant 0 : i32
    %dma_start3A_25 = tpu.memref_slice %arg5[%dma_start3A_23, %dma_start3A_24] : memref<128x128xi32, #tpu.memory_space<vmem>> -> memref<1x50xi32, #tpu.memory_space<vmem>>
    %dma_start3A_26 = tpu.memref_squeeze %dma_start3A_25 : memref<1x50xi32, #tpu.memory_space<vmem>> -> memref<50xi32, #tpu.memory_space<vmem>>
    %dma_start3A_27 = arith.constant 0 : i32
    %dma_start3A_28 = arith.constant 0 : i32
    %dma_start3A_29 = tpu.memref_slice %arg3[%dma_start3A_27, %dma_start3A_28] : memref<100000x128xf32, #tpu.memory_space<hbm>> -> memref<100000x128xf32, #tpu.memory_space<hbm>>
    tpu.enqueue_indirect_dma source(%dma_start3A_29 : memref<100000x128xf32, #tpu.memory_space<hbm>>) target(%arg9 : memref<50x128xf32, #tpu.memory_space<vmem>>) offsets(%dma_start3A_26 : memref<50xi32, #tpu.memory_space<vmem>>) semaphore(%arg17 : memref<!tpu.dma_semaphore, #tpu.memory_space<semaphore_mem>>)
    %dma_start3A_30 = arith.constant 4 : i32
    %dma_start3A_31 = arith.constant 0 : i32
    %dma_start3A_32 = tpu.memref_slice %arg5[%dma_start3A_30, %dma_start3A_31] : memref<128x128xi32, #tpu.memory_space<vmem>> -> memref<1x50xi32, #tpu.memory_space<vmem>>
    %dma_start3A_33 = tpu.memref_squeeze %dma_start3A_32 : memref<1x50xi32, #tpu.memory_space<vmem>> -> memref<50xi32, #tpu.memory_space<vmem>>
    %dma_start3A_34 = arith.constant 0 : i32
    %dma_start3A_35 = arith.constant 0 : i32
    %dma_start3A_36 = tpu.memref_slice %arg3[%dma_start3A_34, %dma_start3A_35] : memref<100000x128xf32, #tpu.memory_space<hbm>> -> memref<100000x128xf32, #tpu.memory_space<hbm>>
    tpu.enqueue_indirect_dma source(%dma_start3A_36 : memref<100000x128xf32, #tpu.memory_space<hbm>>) target(%arg10 : memref<50x128xf32, #tpu.memory_space<vmem>>) offsets(%dma_start3A_33 : memref<50xi32, #tpu.memory_space<vmem>>) semaphore(%arg18 : memref<!tpu.dma_semaphore, #tpu.memory_space<semaphore_mem>>)
    %dma_start3A_37 = arith.constant 5 : i32
    %dma_start3A_38 = arith.constant 0 : i32
    %dma_start3A_39 = tpu.memref_slice %arg5[%dma_start3A_37, %dma_start3A_38] : memref<128x128xi32, #tpu.memory_space<vmem>> -> memref<1x50xi32, #tpu.memory_space<vmem>>
    %dma_start3A_40 = tpu.memref_squeeze %dma_start3A_39 : memref<1x50xi32, #tpu.memory_space<vmem>> -> memref<50xi32, #tpu.memory_space<vmem>>
    %dma_start3A_41 = arith.constant 0 : i32
    %dma_start3A_42 = arith.constant 0 : i32
    %dma_start3A_43 = tpu.memref_slice %arg3[%dma_start3A_41, %dma_start3A_42] : memref<100000x128xf32, #tpu.memory_space<hbm>> -> memref<100000x128xf32, #tpu.memory_space<hbm>>
    tpu.enqueue_indirect_dma source(%dma_start3A_43 : memref<100000x128xf32, #tpu.memory_space<hbm>>) target(%arg11 : memref<50x128xf32, #tpu.memory_space<vmem>>) offsets(%dma_start3A_40 : memref<50xi32, #tpu.memory_space<vmem>>) semaphore(%arg19 : memref<!tpu.dma_semaphore, #tpu.memory_space<semaphore_mem>>)
    %dma_start3A_44 = arith.constant 6 : i32
    %dma_start3A_45 = arith.constant 0 : i32
    %dma_start3A_46 = tpu.memref_slice %arg5[%dma_start3A_44, %dma_start3A_45] : memref<128x128xi32, #tpu.memory_space<vmem>> -> memref<1x50xi32, #tpu.memory_space<vmem>>
    %dma_start3A_47 = tpu.memref_squeeze %dma_start3A_46 : memref<1x50xi32, #tpu.memory_space<vmem>> -> memref<50xi32, #tpu.memory_space<vmem>>
    %dma_start3A_48 = arith.constant 0 : i32
    %dma_start3A_49 = arith.constant 0 : i32
    %dma_start3A_50 = tpu.memref_slice %arg3[%dma_start3A_48, %dma_start3A_49] : memref<100000x128xf32, #tpu.memory_space<hbm>> -> memref<100000x128xf32, #tpu.memory_space<hbm>>
    tpu.enqueue_indirect_dma source(%dma_start3A_50 : memref<100000x128xf32, #tpu.memory_space<hbm>>) target(%arg12 : memref<50x128xf32, #tpu.memory_space<vmem>>) offsets(%dma_start3A_47 : memref<50xi32, #tpu.memory_space<vmem>>) semaphore(%arg20 : memref<!tpu.dma_semaphore, #tpu.memory_space<semaphore_mem>>)
    %dma_start3A_51 = arith.constant 7 : i32
    %dma_start3A_52 = arith.constant 0 : i32
    %dma_start3A_53 = tpu.memref_slice %arg5[%dma_start3A_51, %dma_start3A_52] : memref<128x128xi32, #tpu.memory_space<vmem>> -> memref<1x50xi32, #tpu.memory_space<vmem>>
    %dma_start3A_54 = tpu.memref_squeeze %dma_start3A_53 : memref<1x50xi32, #tpu.memory_space<vmem>> -> memref<50xi32, #tpu.memory_space<vmem>>
    %dma_start3A_55 = arith.constant 0 : i32
    %dma_start3A_56 = arith.constant 0 : i32
    %dma_start3A_57 = tpu.memref_slice %arg3[%dma_start3A_55, %dma_start3A_56] : memref<100000x128xf32, #tpu.memory_space<hbm>> -> memref<100000x128xf32, #tpu.memory_space<hbm>>
    tpu.enqueue_indirect_dma source(%dma_start3A_57 : memref<100000x128xf32, #tpu.memory_space<hbm>>) target(%arg13 : memref<50x128xf32, #tpu.memory_space<vmem>>) offsets(%dma_start3A_54 : memref<50xi32, #tpu.memory_space<vmem>>) semaphore(%arg21 : memref<!tpu.dma_semaphore, #tpu.memory_space<semaphore_mem>>)
    %scan3A = arith.constant 0 : i32
    %scan3A_58 = arith.constant 0 : i32
    %scan3A_59 = arith.constant 16 : i32
    %scan3A_60 = arith.addi %scan3A_58, %scan3A_59 : i32
    %scan3A_61 = arith.constant 1 : i32
    scf.for %scan3A_134 = %scan3A_58 to %scan3A_60 step %scan3A_61  : i32 {
      %mul3A_135 = arith.constant 8 : i32
      %mul3A_136 = arith.muli %scan3A_134, %mul3A_135 : i32
      %dma_wait3A_137 = arith.constant 0 : i32
      %dma_wait3A_138 = arith.constant 0 : i32
      %dma_wait3A_139 = tpu.memref_slice %arg5[%dma_wait3A_137, %dma_wait3A_138] : memref<128x128xi32, #tpu.memory_space<vmem>> -> memref<1x50xi32, #tpu.memory_space<vmem>>
      %dma_wait3A_140 = tpu.memref_squeeze %dma_wait3A_139 : memref<1x50xi32, #tpu.memory_space<vmem>> -> memref<50xi32, #tpu.memory_space<vmem>>
      %dma_wait3A_141 = arith.constant 0 : i32
      %dma_wait3A_142 = arith.constant 0 : i32
      %dma_wait3A_143 = tpu.memref_slice %arg3[%dma_wait3A_141, %dma_wait3A_142] : memref<100000x128xf32, #tpu.memory_space<hbm>> -> memref<100000x128xf32, #tpu.memory_space<hbm>>
      tpu.wait_indirect_dma semaphore(%arg14 : memref<!tpu.dma_semaphore, #tpu.memory_space<semaphore_mem>>) src(%dma_wait3A_143 : memref<100000x128xf32, #tpu.memory_space<hbm>>) dst(%arg6 : memref<50x128xf32, #tpu.memory_space<vmem>>)
      %add3A_144 = arith.constant 0 : i32
      %add3A_145 = arith.addi %mul3A_136, %add3A_144 : i32
      %add3A_146 = arith.addi %mul3A_2, %add3A_145 : i32
      %dma_start3A_147 = arith.constant 0 : i32
      %dma_start3A_148 = arith.constant 0 : i32
      %dma_start3A_149 = tpu.memref_slice %arg4[%add3A_146, %dma_start3A_147, %dma_start3A_148] : memref<4096x50x128xf32, #tpu.memory_space<hbm>> -> memref<1x50x128xf32, #tpu.memory_space<hbm>>
      %dma_start3A_150 = tpu.memref_squeeze %dma_start3A_149 : memref<1x50x128xf32, #tpu.memory_space<hbm>> -> memref<50x128xf32, #tpu.memory_space<hbm>>
      %dma_start3A_151 = arith.constant 0 : i32
      %dma_start3A_152 = arith.constant 0 : i32
      %dma_start3A_153 = tpu.memref_slice %arg4[%add3A_146, %dma_start3A_151, %dma_start3A_152] : memref<4096x50x128xf32, #tpu.memory_space<hbm>> -> memref<1x50x128xf32, #tpu.memory_space<hbm>>
      %dma_start3A_154 = tpu.memref_squeeze %dma_start3A_153 : memref<1x50x128xf32, #tpu.memory_space<hbm>> -> memref<50x128xf32, #tpu.memory_space<hbm>>
      tpu.enqueue_dma source(%arg6 : memref<50x128xf32, #tpu.memory_space<vmem>>) target(%dma_start3A_154 : memref<50x128xf32, #tpu.memory_space<hbm>>) target_semaphore(%arg22 : memref<!tpu.dma_semaphore, #tpu.memory_space<semaphore_mem>>)
      %dma_wait3A_155 = arith.constant 0 : i32
      %dma_wait3A_156 = arith.constant 0 : i32
      %dma_wait3A_157 = tpu.memref_slice %arg5[%dma_wait3A_155, %dma_wait3A_156] : memref<128x128xi32, #tpu.memory_space<vmem>> -> memref<1x50xi32, #tpu.memory_space<vmem>>
      %dma_wait3A_158 = tpu.memref_squeeze %dma_wait3A_157 : memref<1x50xi32, #tpu.memory_space<vmem>> -> memref<50xi32, #tpu.memory_space<vmem>>
      %dma_wait3A_159 = arith.constant 0 : i32
      %dma_wait3A_160 = arith.constant 0 : i32
      %dma_wait3A_161 = tpu.memref_slice %arg3[%dma_wait3A_159, %dma_wait3A_160] : memref<100000x128xf32, #tpu.memory_space<hbm>> -> memref<100000x128xf32, #tpu.memory_space<hbm>>
      tpu.wait_indirect_dma semaphore(%arg15 : memref<!tpu.dma_semaphore, #tpu.memory_space<semaphore_mem>>) src(%dma_wait3A_161 : memref<100000x128xf32, #tpu.memory_space<hbm>>) dst(%arg7 : memref<50x128xf32, #tpu.memory_space<vmem>>)
      %add3A_162 = arith.constant 1 : i32
      %add3A_163 = arith.addi %mul3A_136, %add3A_162 : i32
      %add3A_164 = arith.addi %mul3A_2, %add3A_163 : i32
      %dma_start3A_165 = arith.constant 0 : i32
      %dma_start3A_166 = arith.constant 0 : i32
      %dma_start3A_167 = tpu.memref_slice %arg4[%add3A_164, %dma_start3A_165, %dma_start3A_166] : memref<4096x50x128xf32, #tpu.memory_space<hbm>> -> memref<1x50x128xf32, #tpu.memory_space<hbm>>
      %dma_start3A_168 = tpu.memref_squeeze %dma_start3A_167 : memref<1x50x128xf32, #tpu.memory_space<hbm>> -> memref<50x128xf32, #tpu.memory_space<hbm>>
      %dma_start3A_169 = arith.constant 0 : i32
      %dma_start3A_170 = arith.constant 0 : i32
      %dma_start3A_171 = tpu.memref_slice %arg4[%add3A_164, %dma_start3A_169, %dma_start3A_170] : memref<4096x50x128xf32, #tpu.memory_space<hbm>> -> memref<1x50x128xf32, #tpu.memory_space<hbm>>
      %dma_start3A_172 = tpu.memref_squeeze %dma_start3A_171 : memref<1x50x128xf32, #tpu.memory_space<hbm>> -> memref<50x128xf32, #tpu.memory_space<hbm>>
      tpu.enqueue_dma source(%arg7 : memref<50x128xf32, #tpu.memory_space<vmem>>) target(%dma_start3A_172 : memref<50x128xf32, #tpu.memory_space<hbm>>) target_semaphore(%arg23 : memref<!tpu.dma_semaphore, #tpu.memory_space<semaphore_mem>>)
      %dma_wait3A_173 = arith.constant 0 : i32
      %dma_wait3A_174 = arith.constant 0 : i32
      %dma_wait3A_175 = tpu.memref_slice %arg5[%dma_wait3A_173, %dma_wait3A_174] : memref<128x128xi32, #tpu.memory_space<vmem>> -> memref<1x50xi32, #tpu.memory_space<vmem>>
      %dma_wait3A_176 = tpu.memref_squeeze %dma_wait3A_175 : memref<1x50xi32, #tpu.memory_space<vmem>> -> memref<50xi32, #tpu.memory_space<vmem>>
      %dma_wait3A_177 = arith.constant 0 : i32
      %dma_wait3A_178 = arith.constant 0 : i32
      %dma_wait3A_179 = tpu.memref_slice %arg3[%dma_wait3A_177, %dma_wait3A_178] : memref<100000x128xf32, #tpu.memory_space<hbm>> -> memref<100000x128xf32, #tpu.memory_space<hbm>>
      tpu.wait_indirect_dma semaphore(%arg16 : memref<!tpu.dma_semaphore, #tpu.memory_space<semaphore_mem>>) src(%dma_wait3A_179 : memref<100000x128xf32, #tpu.memory_space<hbm>>) dst(%arg8 : memref<50x128xf32, #tpu.memory_space<vmem>>)
      %add3A_180 = arith.constant 2 : i32
      %add3A_181 = arith.addi %mul3A_136, %add3A_180 : i32
      %add3A_182 = arith.addi %mul3A_2, %add3A_181 : i32
      %dma_start3A_183 = arith.constant 0 : i32
      %dma_start3A_184 = arith.constant 0 : i32
      %dma_start3A_185 = tpu.memref_slice %arg4[%add3A_182, %dma_start3A_183, %dma_start3A_184] : memref<4096x50x128xf32, #tpu.memory_space<hbm>> -> memref<1x50x128xf32, #tpu.memory_space<hbm>>
      %dma_start3A_186 = tpu.memref_squeeze %dma_start3A_185 : memref<1x50x128xf32, #tpu.memory_space<hbm>> -> memref<50x128xf32, #tpu.memory_space<hbm>>
      %dma_start3A_187 = arith.constant 0 : i32
      %dma_start3A_188 = arith.constant 0 : i32
      %dma_start3A_189 = tpu.memref_slice %arg4[%add3A_182, %dma_start3A_187, %dma_start3A_188] : memref<4096x50x128xf32, #tpu.memory_space<hbm>> -> memref<1x50x128xf32, #tpu.memory_space<hbm>>
      %dma_start3A_190 = tpu.memref_squeeze %dma_start3A_189 : memref<1x50x128xf32, #tpu.memory_space<hbm>> -> memref<50x128xf32, #tpu.memory_space<hbm>>
      tpu.enqueue_dma source(%arg8 : memref<50x128xf32, #tpu.memory_space<vmem>>) target(%dma_start3A_190 : memref<50x128xf32, #tpu.memory_space<hbm>>) target_semaphore(%arg24 : memref<!tpu.dma_semaphore, #tpu.memory_space<semaphore_mem>>)
      %dma_wait3A_191 = arith.constant 0 : i32
      %dma_wait3A_192 = arith.constant 0 : i32
      %dma_wait3A_193 = tpu.memref_slice %arg5[%dma_wait3A_191, %dma_wait3A_192] : memref<128x128xi32, #tpu.memory_space<vmem>> -> memref<1x50xi32, #tpu.memory_space<vmem>>
      %dma_wait3A_194 = tpu.memref_squeeze %dma_wait3A_193 : memref<1x50xi32, #tpu.memory_space<vmem>> -> memref<50xi32, #tpu.memory_space<vmem>>
      %dma_wait3A_195 = arith.constant 0 : i32
      %dma_wait3A_196 = arith.constant 0 : i32
      %dma_wait3A_197 = tpu.memref_slice %arg3[%dma_wait3A_195, %dma_wait3A_196] : memref<100000x128xf32, #tpu.memory_space<hbm>> -> memref<100000x128xf32, #tpu.memory_space<hbm>>
      tpu.wait_indirect_dma semaphore(%arg17 : memref<!tpu.dma_semaphore, #tpu.memory_space<semaphore_mem>>) src(%dma_wait3A_197 : memref<100000x128xf32, #tpu.memory_space<hbm>>) dst(%arg9 : memref<50x128xf32, #tpu.memory_space<vmem>>)
      %add3A_198 = arith.constant 3 : i32
      %add3A_199 = arith.addi %mul3A_136, %add3A_198 : i32
      %add3A_200 = arith.addi %mul3A_2, %add3A_199 : i32
      %dma_start3A_201 = arith.constant 0 : i32
      %dma_start3A_202 = arith.constant 0 : i32
      %dma_start3A_203 = tpu.memref_slice %arg4[%add3A_200, %dma_start3A_201, %dma_start3A_202] : memref<4096x50x128xf32, #tpu.memory_space<hbm>> -> memref<1x50x128xf32, #tpu.memory_space<hbm>>
      %dma_start3A_204 = tpu.memref_squeeze %dma_start3A_203 : memref<1x50x128xf32, #tpu.memory_space<hbm>> -> memref<50x128xf32, #tpu.memory_space<hbm>>
      %dma_start3A_205 = arith.constant 0 : i32
      %dma_start3A_206 = arith.constant 0 : i32
      %dma_start3A_207 = tpu.memref_slice %arg4[%add3A_200, %dma_start3A_205, %dma_start3A_206] : memref<4096x50x128xf32, #tpu.memory_space<hbm>> -> memref<1x50x128xf32, #tpu.memory_space<hbm>>
      %dma_start3A_208 = tpu.memref_squeeze %dma_start3A_207 : memref<1x50x128xf32, #tpu.memory_space<hbm>> -> memref<50x128xf32, #tpu.memory_space<hbm>>
      tpu.enqueue_dma source(%arg9 : memref<50x128xf32, #tpu.memory_space<vmem>>) target(%dma_start3A_208 : memref<50x128xf32, #tpu.memory_space<hbm>>) target_semaphore(%arg25 : memref<!tpu.dma_semaphore, #tpu.memory_space<semaphore_mem>>)
      %dma_wait3A_209 = arith.constant 0 : i32
      %dma_wait3A_210 = arith.constant 0 : i32
      %dma_wait3A_211 = tpu.memref_slice %arg5[%dma_wait3A_209, %dma_wait3A_210] : memref<128x128xi32, #tpu.memory_space<vmem>> -> memref<1x50xi32, #tpu.memory_space<vmem>>
      %dma_wait3A_212 = tpu.memref_squeeze %dma_wait3A_211 : memref<1x50xi32, #tpu.memory_space<vmem>> -> memref<50xi32, #tpu.memory_space<vmem>>
      %dma_wait3A_213 = arith.constant 0 : i32
      %dma_wait3A_214 = arith.constant 0 : i32
      %dma_wait3A_215 = tpu.memref_slice %arg3[%dma_wait3A_213, %dma_wait3A_214] : memref<100000x128xf32, #tpu.memory_space<hbm>> -> memref<100000x128xf32, #tpu.memory_space<hbm>>
      tpu.wait_indirect_dma semaphore(%arg18 : memref<!tpu.dma_semaphore, #tpu.memory_space<semaphore_mem>>) src(%dma_wait3A_215 : memref<100000x128xf32, #tpu.memory_space<hbm>>) dst(%arg10 : memref<50x128xf32, #tpu.memory_space<vmem>>)
      %add3A_216 = arith.constant 4 : i32
      %add3A_217 = arith.addi %mul3A_136, %add3A_216 : i32
      %add3A_218 = arith.addi %mul3A_2, %add3A_217 : i32
      %dma_start3A_219 = arith.constant 0 : i32
      %dma_start3A_220 = arith.constant 0 : i32
      %dma_start3A_221 = tpu.memref_slice %arg4[%add3A_218, %dma_start3A_219, %dma_start3A_220] : memref<4096x50x128xf32, #tpu.memory_space<hbm>> -> memref<1x50x128xf32, #tpu.memory_space<hbm>>
      %dma_start3A_222 = tpu.memref_squeeze %dma_start3A_221 : memref<1x50x128xf32, #tpu.memory_space<hbm>> -> memref<50x128xf32, #tpu.memory_space<hbm>>
      %dma_start3A_223 = arith.constant 0 : i32
      %dma_start3A_224 = arith.constant 0 : i32
      %dma_start3A_225 = tpu.memref_slice %arg4[%add3A_218, %dma_start3A_223, %dma_start3A_224] : memref<4096x50x128xf32, #tpu.memory_space<hbm>> -> memref<1x50x128xf32, #tpu.memory_space<hbm>>
      %dma_start3A_226 = tpu.memref_squeeze %dma_start3A_225 : memref<1x50x128xf32, #tpu.memory_space<hbm>> -> memref<50x128xf32, #tpu.memory_space<hbm>>
      tpu.enqueue_dma source(%arg10 : memref<50x128xf32, #tpu.memory_space<vmem>>) target(%dma_start3A_226 : memref<50x128xf32, #tpu.memory_space<hbm>>) target_semaphore(%arg26 : memref<!tpu.dma_semaphore, #tpu.memory_space<semaphore_mem>>)
      %dma_wait3A_227 = arith.constant 0 : i32
      %dma_wait3A_228 = arith.constant 0 : i32
      %dma_wait3A_229 = tpu.memref_slice %arg5[%dma_wait3A_227, %dma_wait3A_228] : memref<128x128xi32, #tpu.memory_space<vmem>> -> memref<1x50xi32, #tpu.memory_space<vmem>>
      %dma_wait3A_230 = tpu.memref_squeeze %dma_wait3A_229 : memref<1x50xi32, #tpu.memory_space<vmem>> -> memref<50xi32, #tpu.memory_space<vmem>>
      %dma_wait3A_231 = arith.constant 0 : i32
      %dma_wait3A_232 = arith.constant 0 : i32
      %dma_wait3A_233 = tpu.memref_slice %arg3[%dma_wait3A_231, %dma_wait3A_232] : memref<100000x128xf32, #tpu.memory_space<hbm>> -> memref<100000x128xf32, #tpu.memory_space<hbm>>
      tpu.wait_indirect_dma semaphore(%arg19 : memref<!tpu.dma_semaphore, #tpu.memory_space<semaphore_mem>>) src(%dma_wait3A_233 : memref<100000x128xf32, #tpu.memory_space<hbm>>) dst(%arg11 : memref<50x128xf32, #tpu.memory_space<vmem>>)
      %add3A_234 = arith.constant 5 : i32
      %add3A_235 = arith.addi %mul3A_136, %add3A_234 : i32
      %add3A_236 = arith.addi %mul3A_2, %add3A_235 : i32
      %dma_start3A_237 = arith.constant 0 : i32
      %dma_start3A_238 = arith.constant 0 : i32
      %dma_start3A_239 = tpu.memref_slice %arg4[%add3A_236, %dma_start3A_237, %dma_start3A_238] : memref<4096x50x128xf32, #tpu.memory_space<hbm>> -> memref<1x50x128xf32, #tpu.memory_space<hbm>>
      %dma_start3A_240 = tpu.memref_squeeze %dma_start3A_239 : memref<1x50x128xf32, #tpu.memory_space<hbm>> -> memref<50x128xf32, #tpu.memory_space<hbm>>
      %dma_start3A_241 = arith.constant 0 : i32
      %dma_start3A_242 = arith.constant 0 : i32
      %dma_start3A_243 = tpu.memref_slice %arg4[%add3A_236, %dma_start3A_241, %dma_start3A_242] : memref<4096x50x128xf32, #tpu.memory_space<hbm>> -> memref<1x50x128xf32, #tpu.memory_space<hbm>>
      %dma_start3A_244 = tpu.memref_squeeze %dma_start3A_243 : memref<1x50x128xf32, #tpu.memory_space<hbm>> -> memref<50x128xf32, #tpu.memory_space<hbm>>
      tpu.enqueue_dma source(%arg11 : memref<50x128xf32, #tpu.memory_space<vmem>>) target(%dma_start3A_244 : memref<50x128xf32, #tpu.memory_space<hbm>>) target_semaphore(%arg27 : memref<!tpu.dma_semaphore, #tpu.memory_space<semaphore_mem>>)
      %dma_wait3A_245 = arith.constant 0 : i32
      %dma_wait3A_246 = arith.constant 0 : i32
      %dma_wait3A_247 = tpu.memref_slice %arg5[%dma_wait3A_245, %dma_wait3A_246] : memref<128x128xi32, #tpu.memory_space<vmem>> -> memref<1x50xi32, #tpu.memory_space<vmem>>
      %dma_wait3A_248 = tpu.memref_squeeze %dma_wait3A_247 : memref<1x50xi32, #tpu.memory_space<vmem>> -> memref<50xi32, #tpu.memory_space<vmem>>
      %dma_wait3A_249 = arith.constant 0 : i32
      %dma_wait3A_250 = arith.constant 0 : i32
      %dma_wait3A_251 = tpu.memref_slice %arg3[%dma_wait3A_249, %dma_wait3A_250] : memref<100000x128xf32, #tpu.memory_space<hbm>> -> memref<100000x128xf32, #tpu.memory_space<hbm>>
      tpu.wait_indirect_dma semaphore(%arg20 : memref<!tpu.dma_semaphore, #tpu.memory_space<semaphore_mem>>) src(%dma_wait3A_251 : memref<100000x128xf32, #tpu.memory_space<hbm>>) dst(%arg12 : memref<50x128xf32, #tpu.memory_space<vmem>>)
      %add3A_252 = arith.constant 6 : i32
      %add3A_253 = arith.addi %mul3A_136, %add3A_252 : i32
      %add3A_254 = arith.addi %mul3A_2, %add3A_253 : i32
      %dma_start3A_255 = arith.constant 0 : i32
      %dma_start3A_256 = arith.constant 0 : i32
      %dma_start3A_257 = tpu.memref_slice %arg4[%add3A_254, %dma_start3A_255, %dma_start3A_256] : memref<4096x50x128xf32, #tpu.memory_space<hbm>> -> memref<1x50x128xf32, #tpu.memory_space<hbm>>
      %dma_start3A_258 = tpu.memref_squeeze %dma_start3A_257 : memref<1x50x128xf32, #tpu.memory_space<hbm>> -> memref<50x128xf32, #tpu.memory_space<hbm>>
      %dma_start3A_259 = arith.constant 0 : i32
      %dma_start3A_260 = arith.constant 0 : i32
      %dma_start3A_261 = tpu.memref_slice %arg4[%add3A_254, %dma_start3A_259, %dma_start3A_260] : memref<4096x50x128xf32, #tpu.memory_space<hbm>> -> memref<1x50x128xf32, #tpu.memory_space<hbm>>
      %dma_start3A_262 = tpu.memref_squeeze %dma_start3A_261 : memref<1x50x128xf32, #tpu.memory_space<hbm>> -> memref<50x128xf32, #tpu.memory_space<hbm>>
      tpu.enqueue_dma source(%arg12 : memref<50x128xf32, #tpu.memory_space<vmem>>) target(%dma_start3A_262 : memref<50x128xf32, #tpu.memory_space<hbm>>) target_semaphore(%arg28 : memref<!tpu.dma_semaphore, #tpu.memory_space<semaphore_mem>>)
      %dma_wait3A_263 = arith.constant 0 : i32
      %dma_wait3A_264 = arith.constant 0 : i32
      %dma_wait3A_265 = tpu.memref_slice %arg5[%dma_wait3A_263, %dma_wait3A_264] : memref<128x128xi32, #tpu.memory_space<vmem>> -> memref<1x50xi32, #tpu.memory_space<vmem>>
      %dma_wait3A_266 = tpu.memref_squeeze %dma_wait3A_265 : memref<1x50xi32, #tpu.memory_space<vmem>> -> memref<50xi32, #tpu.memory_space<vmem>>
      %dma_wait3A_267 = arith.constant 0 : i32
      %dma_wait3A_268 = arith.constant 0 : i32
      %dma_wait3A_269 = tpu.memref_slice %arg3[%dma_wait3A_267, %dma_wait3A_268] : memref<100000x128xf32, #tpu.memory_space<hbm>> -> memref<100000x128xf32, #tpu.memory_space<hbm>>
      tpu.wait_indirect_dma semaphore(%arg21 : memref<!tpu.dma_semaphore, #tpu.memory_space<semaphore_mem>>) src(%dma_wait3A_269 : memref<100000x128xf32, #tpu.memory_space<hbm>>) dst(%arg13 : memref<50x128xf32, #tpu.memory_space<vmem>>)
      %add3A_270 = arith.constant 7 : i32
      %add3A_271 = arith.addi %mul3A_136, %add3A_270 : i32
      %add3A_272 = arith.addi %mul3A_2, %add3A_271 : i32
      %dma_start3A_273 = arith.constant 0 : i32
      %dma_start3A_274 = arith.constant 0 : i32
      %dma_start3A_275 = tpu.memref_slice %arg4[%add3A_272, %dma_start3A_273, %dma_start3A_274] : memref<4096x50x128xf32, #tpu.memory_space<hbm>> -> memref<1x50x128xf32, #tpu.memory_space<hbm>>
      %dma_start3A_276 = tpu.memref_squeeze %dma_start3A_275 : memref<1x50x128xf32, #tpu.memory_space<hbm>> -> memref<50x128xf32, #tpu.memory_space<hbm>>
      %dma_start3A_277 = arith.constant 0 : i32
      %dma_start3A_278 = arith.constant 0 : i32
      %dma_start3A_279 = tpu.memref_slice %arg4[%add3A_272, %dma_start3A_277, %dma_start3A_278] : memref<4096x50x128xf32, #tpu.memory_space<hbm>> -> memref<1x50x128xf32, #tpu.memory_space<hbm>>
      %dma_start3A_280 = tpu.memref_squeeze %dma_start3A_279 : memref<1x50x128xf32, #tpu.memory_space<hbm>> -> memref<50x128xf32, #tpu.memory_space<hbm>>
      tpu.enqueue_dma source(%arg13 : memref<50x128xf32, #tpu.memory_space<vmem>>) target(%dma_start3A_280 : memref<50x128xf32, #tpu.memory_space<hbm>>) target_semaphore(%arg29 : memref<!tpu.dma_semaphore, #tpu.memory_space<semaphore_mem>>)
      %lt3A = arith.constant 15 : i32
      %lt3A_281 = arith.cmpi slt, %scan3A_134, %lt3A : i32
      %convert_element_type3A = arith.extui %lt3A_281 : i1 to i32
      %cond3A = arith.constant 0 : i32
      %cond3A_282 = arith.cmpi ne, %convert_element_type3A, %cond3A : i32
      scf.if %cond3A_282 {
        %dma_wait3A_283 = arith.constant 0 : i32
        %dma_wait3A_284 = arith.constant 0 : i32
        %dma_wait3A_285 = arith.constant 0 : i32
        %dma_wait3A_286 = tpu.memref_slice %arg4[%dma_wait3A_283, %dma_wait3A_284, %dma_wait3A_285] : memref<4096x50x128xf32, #tpu.memory_space<hbm>> -> memref<1x50x128xf32, #tpu.memory_space<hbm>>
        %dma_wait3A_287 = tpu.memref_squeeze %dma_wait3A_286 : memref<1x50x128xf32, #tpu.memory_space<hbm>> -> memref<50x128xf32, #tpu.memory_space<hbm>>
        %dma_wait3A_288 = arith.constant 0 : i32
        %dma_wait3A_289 = arith.constant 0 : i32
        %dma_wait3A_290 = tpu.memref_slice %arg4[%dma_wait3A_283, %dma_wait3A_288, %dma_wait3A_289] : memref<4096x50x128xf32, #tpu.memory_space<hbm>> -> memref<1x50x128xf32, #tpu.memory_space<hbm>>
        %dma_wait3A_291 = tpu.memref_squeeze %dma_wait3A_290 : memref<1x50x128xf32, #tpu.memory_space<hbm>> -> memref<50x128xf32, #tpu.memory_space<hbm>>
        tpu.wait_dma2 semaphore(%arg22 : memref<!tpu.dma_semaphore, #tpu.memory_space<semaphore_mem>>) src(%arg6 : memref<50x128xf32, #tpu.memory_space<vmem>>) dst(%dma_wait3A_291 : memref<50x128xf32, #tpu.memory_space<hbm>>)
        %add3A_292 = arith.constant 8 : i32
        %add3A_293 = arith.addi %mul3A_136, %add3A_292 : i32
        %add3A_294 = arith.constant 0 : i32
        %add3A_295 = arith.addi %add3A_293, %add3A_294 : i32
        %dma_start3A_296 = arith.constant 0 : i32
        %dma_start3A_297 = tpu.memref_slice %arg5[%add3A_295, %dma_start3A_296] : memref<128x128xi32, #tpu.memory_space<vmem>> -> memref<1x50xi32, #tpu.memory_space<vmem>>
        %dma_start3A_298 = tpu.memref_squeeze %dma_start3A_297 : memref<1x50xi32, #tpu.memory_space<vmem>> -> memref<50xi32, #tpu.memory_space<vmem>>
        %dma_start3A_299 = arith.constant 0 : i32
        %dma_start3A_300 = arith.constant 0 : i32
        %dma_start3A_301 = tpu.memref_slice %arg3[%dma_start3A_299, %dma_start3A_300] : memref<100000x128xf32, #tpu.memory_space<hbm>> -> memref<100000x128xf32, #tpu.memory_space<hbm>>
        tpu.enqueue_indirect_dma source(%dma_start3A_301 : memref<100000x128xf32, #tpu.memory_space<hbm>>) target(%arg6 : memref<50x128xf32, #tpu.memory_space<vmem>>) offsets(%dma_start3A_298 : memref<50xi32, #tpu.memory_space<vmem>>) semaphore(%arg14 : memref<!tpu.dma_semaphore, #tpu.memory_space<semaphore_mem>>)
        %dma_wait3A_302 = arith.constant 0 : i32
        %dma_wait3A_303 = arith.constant 0 : i32
        %dma_wait3A_304 = arith.constant 0 : i32
        %dma_wait3A_305 = tpu.memref_slice %arg4[%dma_wait3A_302, %dma_wait3A_303, %dma_wait3A_304] : memref<4096x50x128xf32, #tpu.memory_space<hbm>> -> memref<1x50x128xf32, #tpu.memory_space<hbm>>
        %dma_wait3A_306 = tpu.memref_squeeze %dma_wait3A_305 : memref<1x50x128xf32, #tpu.memory_space<hbm>> -> memref<50x128xf32, #tpu.memory_space<hbm>>
        %dma_wait3A_307 = arith.constant 0 : i32
        %dma_wait3A_308 = arith.constant 0 : i32
        %dma_wait3A_309 = tpu.memref_slice %arg4[%dma_wait3A_302, %dma_wait3A_307, %dma_wait3A_308] : memref<4096x50x128xf32, #tpu.memory_space<hbm>> -> memref<1x50x128xf32, #tpu.memory_space<hbm>>
        %dma_wait3A_310 = tpu.memref_squeeze %dma_wait3A_309 : memref<1x50x128xf32, #tpu.memory_space<hbm>> -> memref<50x128xf32, #tpu.memory_space<hbm>>
        tpu.wait_dma2 semaphore(%arg23 : memref<!tpu.dma_semaphore, #tpu.memory_space<semaphore_mem>>) src(%arg7 : memref<50x128xf32, #tpu.memory_space<vmem>>) dst(%dma_wait3A_310 : memref<50x128xf32, #tpu.memory_space<hbm>>)
        %add3A_311 = arith.constant 8 : i32
        %add3A_312 = arith.addi %mul3A_136, %add3A_311 : i32
        %add3A_313 = arith.constant 1 : i32
        %add3A_314 = arith.addi %add3A_312, %add3A_313 : i32
        %dma_start3A_315 = arith.constant 0 : i32
        %dma_start3A_316 = tpu.memref_slice %arg5[%add3A_314, %dma_start3A_315] : memref<128x128xi32, #tpu.memory_space<vmem>> -> memref<1x50xi32, #tpu.memory_space<vmem>>
        %dma_start3A_317 = tpu.memref_squeeze %dma_start3A_316 : memref<1x50xi32, #tpu.memory_space<vmem>> -> memref<50xi32, #tpu.memory_space<vmem>>
        %dma_start3A_318 = arith.constant 0 : i32
        %dma_start3A_319 = arith.constant 0 : i32
        %dma_start3A_320 = tpu.memref_slice %arg3[%dma_start3A_318, %dma_start3A_319] : memref<100000x128xf32, #tpu.memory_space<hbm>> -> memref<100000x128xf32, #tpu.memory_space<hbm>>
        tpu.enqueue_indirect_dma source(%dma_start3A_320 : memref<100000x128xf32, #tpu.memory_space<hbm>>) target(%arg7 : memref<50x128xf32, #tpu.memory_space<vmem>>) offsets(%dma_start3A_317 : memref<50xi32, #tpu.memory_space<vmem>>) semaphore(%arg15 : memref<!tpu.dma_semaphore, #tpu.memory_space<semaphore_mem>>)
        %dma_wait3A_321 = arith.constant 0 : i32
        %dma_wait3A_322 = arith.constant 0 : i32
        %dma_wait3A_323 = arith.constant 0 : i32
        %dma_wait3A_324 = tpu.memref_slice %arg4[%dma_wait3A_321, %dma_wait3A_322, %dma_wait3A_323] : memref<4096x50x128xf32, #tpu.memory_space<hbm>> -> memref<1x50x128xf32, #tpu.memory_space<hbm>>
        %dma_wait3A_325 = tpu.memref_squeeze %dma_wait3A_324 : memref<1x50x128xf32, #tpu.memory_space<hbm>> -> memref<50x128xf32, #tpu.memory_space<hbm>>
        %dma_wait3A_326 = arith.constant 0 : i32
        %dma_wait3A_327 = arith.constant 0 : i32
        %dma_wait3A_328 = tpu.memref_slice %arg4[%dma_wait3A_321, %dma_wait3A_326, %dma_wait3A_327] : memref<4096x50x128xf32, #tpu.memory_space<hbm>> -> memref<1x50x128xf32, #tpu.memory_space<hbm>>
        %dma_wait3A_329 = tpu.memref_squeeze %dma_wait3A_328 : memref<1x50x128xf32, #tpu.memory_space<hbm>> -> memref<50x128xf32, #tpu.memory_space<hbm>>
        tpu.wait_dma2 semaphore(%arg24 : memref<!tpu.dma_semaphore, #tpu.memory_space<semaphore_mem>>) src(%arg8 : memref<50x128xf32, #tpu.memory_space<vmem>>) dst(%dma_wait3A_329 : memref<50x128xf32, #tpu.memory_space<hbm>>)
        %add3A_330 = arith.constant 8 : i32
        %add3A_331 = arith.addi %mul3A_136, %add3A_330 : i32
        %add3A_332 = arith.constant 2 : i32
        %add3A_333 = arith.addi %add3A_331, %add3A_332 : i32
        %dma_start3A_334 = arith.constant 0 : i32
        %dma_start3A_335 = tpu.memref_slice %arg5[%add3A_333, %dma_start3A_334] : memref<128x128xi32, #tpu.memory_space<vmem>> -> memref<1x50xi32, #tpu.memory_space<vmem>>
        %dma_start3A_336 = tpu.memref_squeeze %dma_start3A_335 : memref<1x50xi32, #tpu.memory_space<vmem>> -> memref<50xi32, #tpu.memory_space<vmem>>
        %dma_start3A_337 = arith.constant 0 : i32
        %dma_start3A_338 = arith.constant 0 : i32
        %dma_start3A_339 = tpu.memref_slice %arg3[%dma_start3A_337, %dma_start3A_338] : memref<100000x128xf32, #tpu.memory_space<hbm>> -> memref<100000x128xf32, #tpu.memory_space<hbm>>
        tpu.enqueue_indirect_dma source(%dma_start3A_339 : memref<100000x128xf32, #tpu.memory_space<hbm>>) target(%arg8 : memref<50x128xf32, #tpu.memory_space<vmem>>) offsets(%dma_start3A_336 : memref<50xi32, #tpu.memory_space<vmem>>) semaphore(%arg16 : memref<!tpu.dma_semaphore, #tpu.memory_space<semaphore_mem>>)
        %dma_wait3A_340 = arith.constant 0 : i32
        %dma_wait3A_341 = arith.constant 0 : i32
        %dma_wait3A_342 = arith.constant 0 : i32
        %dma_wait3A_343 = tpu.memref_slice %arg4[%dma_wait3A_340, %dma_wait3A_341, %dma_wait3A_342] : memref<4096x50x128xf32, #tpu.memory_space<hbm>> -> memref<1x50x128xf32, #tpu.memory_space<hbm>>
        %dma_wait3A_344 = tpu.memref_squeeze %dma_wait3A_343 : memref<1x50x128xf32, #tpu.memory_space<hbm>> -> memref<50x128xf32, #tpu.memory_space<hbm>>
        %dma_wait3A_345 = arith.constant 0 : i32
        %dma_wait3A_346 = arith.constant 0 : i32
        %dma_wait3A_347 = tpu.memref_slice %arg4[%dma_wait3A_340, %dma_wait3A_345, %dma_wait3A_346] : memref<4096x50x128xf32, #tpu.memory_space<hbm>> -> memref<1x50x128xf32, #tpu.memory_space<hbm>>
        %dma_wait3A_348 = tpu.memref_squeeze %dma_wait3A_347 : memref<1x50x128xf32, #tpu.memory_space<hbm>> -> memref<50x128xf32, #tpu.memory_space<hbm>>
        tpu.wait_dma2 semaphore(%arg25 : memref<!tpu.dma_semaphore, #tpu.memory_space<semaphore_mem>>) src(%arg9 : memref<50x128xf32, #tpu.memory_space<vmem>>) dst(%dma_wait3A_348 : memref<50x128xf32, #tpu.memory_space<hbm>>)
        %add3A_349 = arith.constant 8 : i32
        %add3A_350 = arith.addi %mul3A_136, %add3A_349 : i32
        %add3A_351 = arith.constant 3 : i32
        %add3A_352 = arith.addi %add3A_350, %add3A_351 : i32
        %dma_start3A_353 = arith.constant 0 : i32
        %dma_start3A_354 = tpu.memref_slice %arg5[%add3A_352, %dma_start3A_353] : memref<128x128xi32, #tpu.memory_space<vmem>> -> memref<1x50xi32, #tpu.memory_space<vmem>>
        %dma_start3A_355 = tpu.memref_squeeze %dma_start3A_354 : memref<1x50xi32, #tpu.memory_space<vmem>> -> memref<50xi32, #tpu.memory_space<vmem>>
        %dma_start3A_356 = arith.constant 0 : i32
        %dma_start3A_357 = arith.constant 0 : i32
        %dma_start3A_358 = tpu.memref_slice %arg3[%dma_start3A_356, %dma_start3A_357] : memref<100000x128xf32, #tpu.memory_space<hbm>> -> memref<100000x128xf32, #tpu.memory_space<hbm>>
        tpu.enqueue_indirect_dma source(%dma_start3A_358 : memref<100000x128xf32, #tpu.memory_space<hbm>>) target(%arg9 : memref<50x128xf32, #tpu.memory_space<vmem>>) offsets(%dma_start3A_355 : memref<50xi32, #tpu.memory_space<vmem>>) semaphore(%arg17 : memref<!tpu.dma_semaphore, #tpu.memory_space<semaphore_mem>>)
        %dma_wait3A_359 = arith.constant 0 : i32
        %dma_wait3A_360 = arith.constant 0 : i32
        %dma_wait3A_361 = arith.constant 0 : i32
        %dma_wait3A_362 = tpu.memref_slice %arg4[%dma_wait3A_359, %dma_wait3A_360, %dma_wait3A_361] : memref<4096x50x128xf32, #tpu.memory_space<hbm>> -> memref<1x50x128xf32, #tpu.memory_space<hbm>>
        %dma_wait3A_363 = tpu.memref_squeeze %dma_wait3A_362 : memref<1x50x128xf32, #tpu.memory_space<hbm>> -> memref<50x128xf32, #tpu.memory_space<hbm>>
        %dma_wait3A_364 = arith.constant 0 : i32
        %dma_wait3A_365 = arith.constant 0 : i32
        %dma_wait3A_366 = tpu.memref_slice %arg4[%dma_wait3A_359, %dma_wait3A_364, %dma_wait3A_365] : memref<4096x50x128xf32, #tpu.memory_space<hbm>> -> memref<1x50x128xf32, #tpu.memory_space<hbm>>
        %dma_wait3A_367 = tpu.memref_squeeze %dma_wait3A_366 : memref<1x50x128xf32, #tpu.memory_space<hbm>> -> memref<50x128xf32, #tpu.memory_space<hbm>>
        tpu.wait_dma2 semaphore(%arg26 : memref<!tpu.dma_semaphore, #tpu.memory_space<semaphore_mem>>) src(%arg10 : memref<50x128xf32, #tpu.memory_space<vmem>>) dst(%dma_wait3A_367 : memref<50x128xf32, #tpu.memory_space<hbm>>)
        %add3A_368 = arith.constant 8 : i32
        %add3A_369 = arith.addi %mul3A_136, %add3A_368 : i32
        %add3A_370 = arith.constant 4 : i32
        %add3A_371 = arith.addi %add3A_369, %add3A_370 : i32
        %dma_start3A_372 = arith.constant 0 : i32
        %dma_start3A_373 = tpu.memref_slice %arg5[%add3A_371, %dma_start3A_372] : memref<128x128xi32, #tpu.memory_space<vmem>> -> memref<1x50xi32, #tpu.memory_space<vmem>>
        %dma_start3A_374 = tpu.memref_squeeze %dma_start3A_373 : memref<1x50xi32, #tpu.memory_space<vmem>> -> memref<50xi32, #tpu.memory_space<vmem>>
        %dma_start3A_375 = arith.constant 0 : i32
        %dma_start3A_376 = arith.constant 0 : i32
        %dma_start3A_377 = tpu.memref_slice %arg3[%dma_start3A_375, %dma_start3A_376] : memref<100000x128xf32, #tpu.memory_space<hbm>> -> memref<100000x128xf32, #tpu.memory_space<hbm>>
        tpu.enqueue_indirect_dma source(%dma_start3A_377 : memref<100000x128xf32, #tpu.memory_space<hbm>>) target(%arg10 : memref<50x128xf32, #tpu.memory_space<vmem>>) offsets(%dma_start3A_374 : memref<50xi32, #tpu.memory_space<vmem>>) semaphore(%arg18 : memref<!tpu.dma_semaphore, #tpu.memory_space<semaphore_mem>>)
        %dma_wait3A_378 = arith.constant 0 : i32
        %dma_wait3A_379 = arith.constant 0 : i32
        %dma_wait3A_380 = arith.constant 0 : i32
        %dma_wait3A_381 = tpu.memref_slice %arg4[%dma_wait3A_378, %dma_wait3A_379, %dma_wait3A_380] : memref<4096x50x128xf32, #tpu.memory_space<hbm>> -> memref<1x50x128xf32, #tpu.memory_space<hbm>>
        %dma_wait3A_382 = tpu.memref_squeeze %dma_wait3A_381 : memref<1x50x128xf32, #tpu.memory_space<hbm>> -> memref<50x128xf32, #tpu.memory_space<hbm>>
        %dma_wait3A_383 = arith.constant 0 : i32
        %dma_wait3A_384 = arith.constant 0 : i32
        %dma_wait3A_385 = tpu.memref_slice %arg4[%dma_wait3A_378, %dma_wait3A_383, %dma_wait3A_384] : memref<4096x50x128xf32, #tpu.memory_space<hbm>> -> memref<1x50x128xf32, #tpu.memory_space<hbm>>
        %dma_wait3A_386 = tpu.memref_squeeze %dma_wait3A_385 : memref<1x50x128xf32, #tpu.memory_space<hbm>> -> memref<50x128xf32, #tpu.memory_space<hbm>>
        tpu.wait_dma2 semaphore(%arg27 : memref<!tpu.dma_semaphore, #tpu.memory_space<semaphore_mem>>) src(%arg11 : memref<50x128xf32, #tpu.memory_space<vmem>>) dst(%dma_wait3A_386 : memref<50x128xf32, #tpu.memory_space<hbm>>)
        %add3A_387 = arith.constant 8 : i32
        %add3A_388 = arith.addi %mul3A_136, %add3A_387 : i32
        %add3A_389 = arith.constant 5 : i32
        %add3A_390 = arith.addi %add3A_388, %add3A_389 : i32
        %dma_start3A_391 = arith.constant 0 : i32
        %dma_start3A_392 = tpu.memref_slice %arg5[%add3A_390, %dma_start3A_391] : memref<128x128xi32, #tpu.memory_space<vmem>> -> memref<1x50xi32, #tpu.memory_space<vmem>>
        %dma_start3A_393 = tpu.memref_squeeze %dma_start3A_392 : memref<1x50xi32, #tpu.memory_space<vmem>> -> memref<50xi32, #tpu.memory_space<vmem>>
        %dma_start3A_394 = arith.constant 0 : i32
        %dma_start3A_395 = arith.constant 0 : i32
        %dma_start3A_396 = tpu.memref_slice %arg3[%dma_start3A_394, %dma_start3A_395] : memref<100000x128xf32, #tpu.memory_space<hbm>> -> memref<100000x128xf32, #tpu.memory_space<hbm>>
        tpu.enqueue_indirect_dma source(%dma_start3A_396 : memref<100000x128xf32, #tpu.memory_space<hbm>>) target(%arg11 : memref<50x128xf32, #tpu.memory_space<vmem>>) offsets(%dma_start3A_393 : memref<50xi32, #tpu.memory_space<vmem>>) semaphore(%arg19 : memref<!tpu.dma_semaphore, #tpu.memory_space<semaphore_mem>>)
        %dma_wait3A_397 = arith.constant 0 : i32
        %dma_wait3A_398 = arith.constant 0 : i32
        %dma_wait3A_399 = arith.constant 0 : i32
        %dma_wait3A_400 = tpu.memref_slice %arg4[%dma_wait3A_397, %dma_wait3A_398, %dma_wait3A_399] : memref<4096x50x128xf32, #tpu.memory_space<hbm>> -> memref<1x50x128xf32, #tpu.memory_space<hbm>>
        %dma_wait3A_401 = tpu.memref_squeeze %dma_wait3A_400 : memref<1x50x128xf32, #tpu.memory_space<hbm>> -> memref<50x128xf32, #tpu.memory_space<hbm>>
        %dma_wait3A_402 = arith.constant 0 : i32
        %dma_wait3A_403 = arith.constant 0 : i32
        %dma_wait3A_404 = tpu.memref_slice %arg4[%dma_wait3A_397, %dma_wait3A_402, %dma_wait3A_403] : memref<4096x50x128xf32, #tpu.memory_space<hbm>> -> memref<1x50x128xf32, #tpu.memory_space<hbm>>
        %dma_wait3A_405 = tpu.memref_squeeze %dma_wait3A_404 : memref<1x50x128xf32, #tpu.memory_space<hbm>> -> memref<50x128xf32, #tpu.memory_space<hbm>>
        tpu.wait_dma2 semaphore(%arg28 : memref<!tpu.dma_semaphore, #tpu.memory_space<semaphore_mem>>) src(%arg12 : memref<50x128xf32, #tpu.memory_space<vmem>>) dst(%dma_wait3A_405 : memref<50x128xf32, #tpu.memory_space<hbm>>)
        %add3A_406 = arith.constant 8 : i32
        %add3A_407 = arith.addi %mul3A_136, %add3A_406 : i32
        %add3A_408 = arith.constant 6 : i32
        %add3A_409 = arith.addi %add3A_407, %add3A_408 : i32
        %dma_start3A_410 = arith.constant 0 : i32
        %dma_start3A_411 = tpu.memref_slice %arg5[%add3A_409, %dma_start3A_410] : memref<128x128xi32, #tpu.memory_space<vmem>> -> memref<1x50xi32, #tpu.memory_space<vmem>>
        %dma_start3A_412 = tpu.memref_squeeze %dma_start3A_411 : memref<1x50xi32, #tpu.memory_space<vmem>> -> memref<50xi32, #tpu.memory_space<vmem>>
        %dma_start3A_413 = arith.constant 0 : i32
        %dma_start3A_414 = arith.constant 0 : i32
        %dma_start3A_415 = tpu.memref_slice %arg3[%dma_start3A_413, %dma_start3A_414] : memref<100000x128xf32, #tpu.memory_space<hbm>> -> memref<100000x128xf32, #tpu.memory_space<hbm>>
        tpu.enqueue_indirect_dma source(%dma_start3A_415 : memref<100000x128xf32, #tpu.memory_space<hbm>>) target(%arg12 : memref<50x128xf32, #tpu.memory_space<vmem>>) offsets(%dma_start3A_412 : memref<50xi32, #tpu.memory_space<vmem>>) semaphore(%arg20 : memref<!tpu.dma_semaphore, #tpu.memory_space<semaphore_mem>>)
        %dma_wait3A_416 = arith.constant 0 : i32
        %dma_wait3A_417 = arith.constant 0 : i32
        %dma_wait3A_418 = arith.constant 0 : i32
        %dma_wait3A_419 = tpu.memref_slice %arg4[%dma_wait3A_416, %dma_wait3A_417, %dma_wait3A_418] : memref<4096x50x128xf32, #tpu.memory_space<hbm>> -> memref<1x50x128xf32, #tpu.memory_space<hbm>>
        %dma_wait3A_420 = tpu.memref_squeeze %dma_wait3A_419 : memref<1x50x128xf32, #tpu.memory_space<hbm>> -> memref<50x128xf32, #tpu.memory_space<hbm>>
        %dma_wait3A_421 = arith.constant 0 : i32
        %dma_wait3A_422 = arith.constant 0 : i32
        %dma_wait3A_423 = tpu.memref_slice %arg4[%dma_wait3A_416, %dma_wait3A_421, %dma_wait3A_422] : memref<4096x50x128xf32, #tpu.memory_space<hbm>> -> memref<1x50x128xf32, #tpu.memory_space<hbm>>
        %dma_wait3A_424 = tpu.memref_squeeze %dma_wait3A_423 : memref<1x50x128xf32, #tpu.memory_space<hbm>> -> memref<50x128xf32, #tpu.memory_space<hbm>>
        tpu.wait_dma2 semaphore(%arg29 : memref<!tpu.dma_semaphore, #tpu.memory_space<semaphore_mem>>) src(%arg13 : memref<50x128xf32, #tpu.memory_space<vmem>>) dst(%dma_wait3A_424 : memref<50x128xf32, #tpu.memory_space<hbm>>)
        %add3A_425 = arith.constant 8 : i32
        %add3A_426 = arith.addi %mul3A_136, %add3A_425 : i32
        %add3A_427 = arith.constant 7 : i32
        %add3A_428 = arith.addi %add3A_426, %add3A_427 : i32
        %dma_start3A_429 = arith.constant 0 : i32
        %dma_start3A_430 = tpu.memref_slice %arg5[%add3A_428, %dma_start3A_429] : memref<128x128xi32, #tpu.memory_space<vmem>> -> memref<1x50xi32, #tpu.memory_space<vmem>>
        %dma_start3A_431 = tpu.memref_squeeze %dma_start3A_430 : memref<1x50xi32, #tpu.memory_space<vmem>> -> memref<50xi32, #tpu.memory_space<vmem>>
        %dma_start3A_432 = arith.constant 0 : i32
        %dma_start3A_433 = arith.constant 0 : i32
        %dma_start3A_434 = tpu.memref_slice %arg3[%dma_start3A_432, %dma_start3A_433] : memref<100000x128xf32, #tpu.memory_space<hbm>> -> memref<100000x128xf32, #tpu.memory_space<hbm>>
        tpu.enqueue_indirect_dma source(%dma_start3A_434 : memref<100000x128xf32, #tpu.memory_space<hbm>>) target(%arg13 : memref<50x128xf32, #tpu.memory_space<vmem>>) offsets(%dma_start3A_431 : memref<50xi32, #tpu.memory_space<vmem>>) semaphore(%arg21 : memref<!tpu.dma_semaphore, #tpu.memory_space<semaphore_mem>>)
      } else {
      }
    }
    %scan3A_62 = arith.constant 16 : i32
    %dma_wait3A = arith.constant 0 : i32
    %dma_wait3A_63 = arith.constant 0 : i32
    %dma_wait3A_64 = arith.constant 0 : i32
    %dma_wait3A_65 = tpu.memref_slice %arg4[%dma_wait3A, %dma_wait3A_63, %dma_wait3A_64] : memref<4096x50x128xf32, #tpu.memory_space<hbm>> -> memref<1x50x128xf32, #tpu.memory_space<hbm>>
    %dma_wait3A_66 = tpu.memref_squeeze %dma_wait3A_65 : memref<1x50x128xf32, #tpu.memory_space<hbm>> -> memref<50x128xf32, #tpu.memory_space<hbm>>
    %dma_wait3A_67 = arith.constant 0 : i32
    %dma_wait3A_68 = arith.constant 0 : i32
    %dma_wait3A_69 = tpu.memref_slice %arg4[%dma_wait3A, %dma_wait3A_67, %dma_wait3A_68] : memref<4096x50x128xf32, #tpu.memory_space<hbm>> -> memref<1x50x128xf32, #tpu.memory_space<hbm>>
    %dma_wait3A_70 = tpu.memref_squeeze %dma_wait3A_69 : memref<1x50x128xf32, #tpu.memory_space<hbm>> -> memref<50x128xf32, #tpu.memory_space<hbm>>
    tpu.wait_dma2 semaphore(%arg22 : memref<!tpu.dma_semaphore, #tpu.memory_space<semaphore_mem>>) src(%arg6 : memref<50x128xf32, #tpu.memory_space<vmem>>) dst(%dma_wait3A_70 : memref<50x128xf32, #tpu.memory_space<hbm>>)
    %dma_wait3A_71 = arith.constant 0 : i32
    %dma_wait3A_72 = arith.constant 0 : i32
    %dma_wait3A_73 = arith.constant 0 : i32
    %dma_wait3A_74 = tpu.memref_slice %arg4[%dma_wait3A_71, %dma_wait3A_72, %dma_wait3A_73] : memref<4096x50x128xf32, #tpu.memory_space<hbm>> -> memref<1x50x128xf32, #tpu.memory_space<hbm>>
    %dma_wait3A_75 = tpu.memref_squeeze %dma_wait3A_74 : memref<1x50x128xf32, #tpu.memory_space<hbm>> -> memref<50x128xf32, #tpu.memory_space<hbm>>
    %dma_wait3A_76 = arith.constant 0 : i32
    %dma_wait3A_77 = arith.constant 0 : i32
    %dma_wait3A_78 = tpu.memref_slice %arg4[%dma_wait3A_71, %dma_wait3A_76, %dma_wait3A_77] : memref<4096x50x128xf32, #tpu.memory_space<hbm>> -> memref<1x50x128xf32, #tpu.memory_space<hbm>>
    %dma_wait3A_79 = tpu.memref_squeeze %dma_wait3A_78 : memref<1x50x128xf32, #tpu.memory_space<hbm>> -> memref<50x128xf32, #tpu.memory_space<hbm>>
    tpu.wait_dma2 semaphore(%arg23 : memref<!tpu.dma_semaphore, #tpu.memory_space<semaphore_mem>>) src(%arg7 : memref<50x128xf32, #tpu.memory_space<vmem>>) dst(%dma_wait3A_79 : memref<50x128xf32, #tpu.memory_space<hbm>>)
    %dma_wait3A_80 = arith.constant 0 : i32
    %dma_wait3A_81 = arith.constant 0 : i32
    %dma_wait3A_82 = arith.constant 0 : i32
    %dma_wait3A_83 = tpu.memref_slice %arg4[%dma_wait3A_80, %dma_wait3A_81, %dma_wait3A_82] : memref<4096x50x128xf32, #tpu.memory_space<hbm>> -> memref<1x50x128xf32, #tpu.memory_space<hbm>>
    %dma_wait3A_84 = tpu.memref_squeeze %dma_wait3A_83 : memref<1x50x128xf32, #tpu.memory_space<hbm>> -> memref<50x128xf32, #tpu.memory_space<hbm>>
    %dma_wait3A_85 = arith.constant 0 : i32
    %dma_wait3A_86 = arith.constant 0 : i32
    %dma_wait3A_87 = tpu.memref_slice %arg4[%dma_wait3A_80, %dma_wait3A_85, %dma_wait3A_86] : memref<4096x50x128xf32, #tpu.memory_space<hbm>> -> memref<1x50x128xf32, #tpu.memory_space<hbm>>
    %dma_wait3A_88 = tpu.memref_squeeze %dma_wait3A_87 : memref<1x50x128xf32, #tpu.memory_space<hbm>> -> memref<50x128xf32, #tpu.memory_space<hbm>>
    tpu.wait_dma2 semaphore(%arg24 : memref<!tpu.dma_semaphore, #tpu.memory_space<semaphore_mem>>) src(%arg8 : memref<50x128xf32, #tpu.memory_space<vmem>>) dst(%dma_wait3A_88 : memref<50x128xf32, #tpu.memory_space<hbm>>)
    %dma_wait3A_89 = arith.constant 0 : i32
    %dma_wait3A_90 = arith.constant 0 : i32
    %dma_wait3A_91 = arith.constant 0 : i32
    %dma_wait3A_92 = tpu.memref_slice %arg4[%dma_wait3A_89, %dma_wait3A_90, %dma_wait3A_91] : memref<4096x50x128xf32, #tpu.memory_space<hbm>> -> memref<1x50x128xf32, #tpu.memory_space<hbm>>
    %dma_wait3A_93 = tpu.memref_squeeze %dma_wait3A_92 : memref<1x50x128xf32, #tpu.memory_space<hbm>> -> memref<50x128xf32, #tpu.memory_space<hbm>>
    %dma_wait3A_94 = arith.constant 0 : i32
    %dma_wait3A_95 = arith.constant 0 : i32
    %dma_wait3A_96 = tpu.memref_slice %arg4[%dma_wait3A_89, %dma_wait3A_94, %dma_wait3A_95] : memref<4096x50x128xf32, #tpu.memory_space<hbm>> -> memref<1x50x128xf32, #tpu.memory_space<hbm>>
    %dma_wait3A_97 = tpu.memref_squeeze %dma_wait3A_96 : memref<1x50x128xf32, #tpu.memory_space<hbm>> -> memref<50x128xf32, #tpu.memory_space<hbm>>
    tpu.wait_dma2 semaphore(%arg25 : memref<!tpu.dma_semaphore, #tpu.memory_space<semaphore_mem>>) src(%arg9 : memref<50x128xf32, #tpu.memory_space<vmem>>) dst(%dma_wait3A_97 : memref<50x128xf32, #tpu.memory_space<hbm>>)
    %dma_wait3A_98 = arith.constant 0 : i32
    %dma_wait3A_99 = arith.constant 0 : i32
    %dma_wait3A_100 = arith.constant 0 : i32
    %dma_wait3A_101 = tpu.memref_slice %arg4[%dma_wait3A_98, %dma_wait3A_99, %dma_wait3A_100] : memref<4096x50x128xf32, #tpu.memory_space<hbm>> -> memref<1x50x128xf32, #tpu.memory_space<hbm>>
    %dma_wait3A_102 = tpu.memref_squeeze %dma_wait3A_101 : memref<1x50x128xf32, #tpu.memory_space<hbm>> -> memref<50x128xf32, #tpu.memory_space<hbm>>
    %dma_wait3A_103 = arith.constant 0 : i32
    %dma_wait3A_104 = arith.constant 0 : i32
    %dma_wait3A_105 = tpu.memref_slice %arg4[%dma_wait3A_98, %dma_wait3A_103, %dma_wait3A_104] : memref<4096x50x128xf32, #tpu.memory_space<hbm>> -> memref<1x50x128xf32, #tpu.memory_space<hbm>>
    %dma_wait3A_106 = tpu.memref_squeeze %dma_wait3A_105 : memref<1x50x128xf32, #tpu.memory_space<hbm>> -> memref<50x128xf32, #tpu.memory_space<hbm>>
    tpu.wait_dma2 semaphore(%arg26 : memref<!tpu.dma_semaphore, #tpu.memory_space<semaphore_mem>>) src(%arg10 : memref<50x128xf32, #tpu.memory_space<vmem>>) dst(%dma_wait3A_106 : memref<50x128xf32, #tpu.memory_space<hbm>>)
    %dma_wait3A_107 = arith.constant 0 : i32
    %dma_wait3A_108 = arith.constant 0 : i32
    %dma_wait3A_109 = arith.constant 0 : i32
    %dma_wait3A_110 = tpu.memref_slice %arg4[%dma_wait3A_107, %dma_wait3A_108, %dma_wait3A_109] : memref<4096x50x128xf32, #tpu.memory_space<hbm>> -> memref<1x50x128xf32, #tpu.memory_space<hbm>>
    %dma_wait3A_111 = tpu.memref_squeeze %dma_wait3A_110 : memref<1x50x128xf32, #tpu.memory_space<hbm>> -> memref<50x128xf32, #tpu.memory_space<hbm>>
    %dma_wait3A_112 = arith.constant 0 : i32
    %dma_wait3A_113 = arith.constant 0 : i32
    %dma_wait3A_114 = tpu.memref_slice %arg4[%dma_wait3A_107, %dma_wait3A_112, %dma_wait3A_113] : memref<4096x50x128xf32, #tpu.memory_space<hbm>> -> memref<1x50x128xf32, #tpu.memory_space<hbm>>
    %dma_wait3A_115 = tpu.memref_squeeze %dma_wait3A_114 : memref<1x50x128xf32, #tpu.memory_space<hbm>> -> memref<50x128xf32, #tpu.memory_space<hbm>>
    tpu.wait_dma2 semaphore(%arg27 : memref<!tpu.dma_semaphore, #tpu.memory_space<semaphore_mem>>) src(%arg11 : memref<50x128xf32, #tpu.memory_space<vmem>>) dst(%dma_wait3A_115 : memref<50x128xf32, #tpu.memory_space<hbm>>)
    %dma_wait3A_116 = arith.constant 0 : i32
    %dma_wait3A_117 = arith.constant 0 : i32
    %dma_wait3A_118 = arith.constant 0 : i32
    %dma_wait3A_119 = tpu.memref_slice %arg4[%dma_wait3A_116, %dma_wait3A_117, %dma_wait3A_118] : memref<4096x50x128xf32, #tpu.memory_space<hbm>> -> memref<1x50x128xf32, #tpu.memory_space<hbm>>
    %dma_wait3A_120 = tpu.memref_squeeze %dma_wait3A_119 : memref<1x50x128xf32, #tpu.memory_space<hbm>> -> memref<50x128xf32, #tpu.memory_space<hbm>>
    %dma_wait3A_121 = arith.constant 0 : i32
    %dma_wait3A_122 = arith.constant 0 : i32
    %dma_wait3A_123 = tpu.memref_slice %arg4[%dma_wait3A_116, %dma_wait3A_121, %dma_wait3A_122] : memref<4096x50x128xf32, #tpu.memory_space<hbm>> -> memref<1x50x128xf32, #tpu.memory_space<hbm>>
    %dma_wait3A_124 = tpu.memref_squeeze %dma_wait3A_123 : memref<1x50x128xf32, #tpu.memory_space<hbm>> -> memref<50x128xf32, #tpu.memory_space<hbm>>
    tpu.wait_dma2 semaphore(%arg28 : memref<!tpu.dma_semaphore, #tpu.memory_space<semaphore_mem>>) src(%arg12 : memref<50x128xf32, #tpu.memory_space<vmem>>) dst(%dma_wait3A_124 : memref<50x128xf32, #tpu.memory_space<hbm>>)
    %dma_wait3A_125 = arith.constant 0 : i32
    %dma_wait3A_126 = arith.constant 0 : i32
    %dma_wait3A_127 = arith.constant 0 : i32
    %dma_wait3A_128 = tpu.memref_slice %arg4[%dma_wait3A_125, %dma_wait3A_126, %dma_wait3A_127] : memref<4096x50x128xf32, #tpu.memory_space<hbm>> -> memref<1x50x128xf32, #tpu.memory_space<hbm>>
    %dma_wait3A_129 = tpu.memref_squeeze %dma_wait3A_128 : memref<1x50x128xf32, #tpu.memory_space<hbm>> -> memref<50x128xf32, #tpu.memory_space<hbm>>
    %dma_wait3A_130 = arith.constant 0 : i32
    %dma_wait3A_131 = arith.constant 0 : i32
    %dma_wait3A_132 = tpu.memref_slice %arg4[%dma_wait3A_125, %dma_wait3A_130, %dma_wait3A_131] : memref<4096x50x128xf32, #tpu.memory_space<hbm>> -> memref<1x50x128xf32, #tpu.memory_space<hbm>>
    %dma_wait3A_133 = tpu.memref_squeeze %dma_wait3A_132 : memref<1x50x128xf32, #tpu.memory_space<hbm>> -> memref<50x128xf32, #tpu.memory_space<hbm>>
    tpu.wait_dma2 semaphore(%arg29 : memref<!tpu.dma_semaphore, #tpu.memory_space<semaphore_mem>>) src(%arg13 : memref<50x128xf32, #tpu.memory_space<vmem>>) dst(%dma_wait3A_133 : memref<50x128xf32, #tpu.memory_space<hbm>>)
    return
  }
}

module attributes {stable_mosaic.version = 14 : i64} {
  func.func @_add_kernel(%arg0: i32, %arg1: memref<4000x128xf32, #tpu.memory_space<vmem>>, %arg2: memref<4000x128xf32, #tpu.memory_space<vmem>>, %arg3: memref<4000x128xf32, #tpu.memory_space<vmem>>) attributes {dimension_semantics = [#tpu.dimension_semantics<arbitrary>], iteration_bounds = array<i64: 25>, scalar_prefetch = 0 : i64, scratch_operands = 0 : i64, tpu.core_type = #tpu.core_type<tc>, window_params = [{transform_indices = @transform_0, window_bounds = array<i64: 4000, 128>}, {transform_indices = @transform_1, window_bounds = array<i64: 4000, 128>}, {transform_indices = @transform_2, window_bounds = array<i64: 4000, 128>}]} {
    %get3A = arith.constant 0 : index
    %get3A_0 = arith.constant 0 : index
    %get3A_1 = vector.load %arg1[%get3A, %get3A_0] : memref<4000x128xf32, #tpu.memory_space<vmem>>, vector<4000x128xf32>
    %get3A_2 = arith.constant 0 : index
    %get3A_3 = arith.constant 0 : index
    %get3A_4 = vector.load %arg2[%get3A_2, %get3A_3] : memref<4000x128xf32, #tpu.memory_space<vmem>>, vector<4000x128xf32>
    %add3A = arith.addf %get3A_1, %get3A_4 : vector<4000x128xf32>
    %swap3A = arith.constant 0 : index
    %swap3A_5 = arith.constant 0 : index
    %swap3A_6 = vector.load %arg3[%swap3A, %swap3A_5] : memref<4000x128xf32, #tpu.memory_space<vmem>>, vector<4000x128xf32>
    tpu.vector_store %arg3[%swap3A, %swap3A_5], %add3A {strides = array<i32>} : memref<4000x128xf32, #tpu.memory_space<vmem>>, vector<4000x128xf32>,
    return
  }
  func.func @transform_0(%arg0: i32) -> (i32, i32) {
    %c0_i32 = arith.constant 0 : i32
    %c0_i32_0 = arith.constant 0 : i32
    return %arg0, %c0_i32 : i32, i32
  }
  func.func @transform_1(%arg0: i32) -> (i32, i32) {
    %c0_i32 = arith.constant 0 : i32
    %c0_i32_0 = arith.constant 0 : i32
    return %arg0, %c0_i32 : i32, i32
  }
  func.func @transform_2(%arg0: i32) -> (i32, i32) {
    %c0_i32 = arith.constant 0 : i32
    %c0_i32_0 = arith.constant 0 : i32
    return %arg0, %c0_i32 : i32, i32
  }
}

</mosaic_0001>

<sc_bundles>
// kernel: kernel.4.cloned.1.call-start
scs
__scs_entry_jumppad:
0x0: {  	(pc) =	sbr.rel $0x88, $3  }
0x1: {  	(tag) =	ssettag $0x0;
	lr =	simm.s32 $0x1  }
0x2: {  	[smem:$0x3F9E] =	sst lr;
	_ =	strace $0xD0000000  }
0x3: {  	_ = 	snop  }
0x4: {  	_ = 	snop  }
0x5: {  	_ = 	snop  }
0x6: {  	_ = 	snop  }
0x7: {  	_ = 	snop  }
__scs_overlays_trampoline_lowered:
0x8: {  	[smem:$0x3FAD] =	sst s0  }
0x9: {  	[smem:$0x3FAE] =	sst s1  }
0xa: {  	[smem:$0x3FAF] =	sst s2  }
0xb: {  	[smem:$0x3FB0] =	sst s3  }
0xc: {  	[smem:$0x3FB1] =	sst s4  }
0xd: {  	[smem:$0x3FB2] =	sst s5  }
0xe: {  	[smem:$0x3FB3] =	sst s6  }
0xf: {  	[smem:$0x3FB4] =	sst s7  }
0x10: {  	[smem:$0x3FB5] =	sst s8  }
0x11: {  	[smem:$0x3FB6] =	sst s9;
	s0 =	simm.s32 @!p0 $0x0  }
0x12: {  	s1 =	sld [smem:$0x3F9C];
	s0 =	simm.s32 @p0 $0x1  }
0x13: {  	[smem:$0x3FB7] =	sst s0;
	s0 =	simm.s32 @!p1 $0x0  }
0x14: {  	s2 =	sld [smem:$0x3F9B];
	s0 =	simm.s32 @p1 $0x1  }
0x15: {  	[smem:$0x3FB8] =	sst s0;
	s0 =	simm.s32 @!p2 $0x0  }
0x16: {  	s3 =	sld [smem:$0x3FDB];
	s0 =	simm.s32 @p2 $0x1  }
0x17: {  	s4 =	simm.s32 $0x1BF5;
	[smem:$0x3FBA] =	sst s0  }
0x18: {  	s0 =	sld [smem:$0x3F9D];
	_ =	swait.ge [sflag:s4], $0x0  }
0x19: {  	s7 =	sld [smem:$0x3F9E]  }
0x1a: {  	s8 =	sadd.s32 $0xFFFFE003, lr  }
0x1b: {  	s9 =	sadd.s32 $0xFFFFFEF7, lr;
	s5 =	simm.s32 $0xFFFFFFFF;
	p2 =	slt.u32 s8, $0xFFFFF086  }
0x1c: {  	p1 =	slt.u32 s9, $0xF7A;
	s5 =	simm.s32 @!p2 $0x0  }
0x1d: {  	s5 =	simm.s32 @p1 $0x1;
	p0 =	seq.s32 s7, s2  }
0x1e: {  	s7 =	smul.u32 @!p0 $0xF7A, s2;
	p2 =	seq.s32 @!p0 s5, $0x0  }
0x1f: {  	s9 =	smul.u32 $0xF7A, s1;
	s8 =	simm.s32 @!p0 $0x1BF5;
	p2 =	por !p2, p0  }
0x20: {  	[sflag:s8] =	ssyncset.s32 @!p0 $0xFFFFF086;
	s6 =	sadd.s32 @!p0 s3, s7;
	s7 =	simm.s32 @!p0 $0x108  }
0x21: {  	s3 =	sadd.s32 s3, s9;
	s6 =	sadd.s32 @!p0 $0x88, s6;
	s7 =	simm.s32 @p2 $0x1082  }
0x22: {  	[simem:s7], [sflag:s8] =	dma.local @!p0 [hbm:s6], $0xF7A  }
0x23: {  	s9 =	sor.u32 $0xD0000000, s2;
	s6 =	simm.s32 $0x108;
	_ =	swait.ge @!p0 [sflag:s8], $0x0  }
0x24: {  	s3 =	sadd.s32 $0x88, s3;
	s6 =	simm.s32 @!p1 $0x1082;
	[sflag:s4] =	ssyncset.s32 $0xFFFFF086  }
0x25: {  	[simem:s6], [sflag:s4] =	dma.local [hbm:s3], $0xF7A  }
0x26: {  	[smem:$0x3F9E] =	sst s1;
	(tag) =	ssettag s2;
	_ =	strace s9  }
0x27: {  	s1 =	sld [smem:$0x3FAE]  }
0x28: {  	s2 =	sld [smem:$0x3FAF]  }
0x29: {  	s4 =	sld [smem:$0x3FB1]  }
0x2a: {  	p0 =	seq.s32 s5, $0x0;
	s5 =	sld [smem:$0x3FB2]  }
0x2b: {  	s6 =	sld [smem:$0x3FB3]  }
0x2c: {  	s7 =	sld [smem:$0x3FB4]  }
0x2d: {  	s3 =	simm.s32 $0x108;
	s8 =	sld [smem:$0x3FB5]  }
0x2e: {  	s3 =	simm.s32 @!p0 $0x1082;
	s9 =	sld [smem:$0x3FB6]  }
0x2f: {  	lr =	sadd.s32 s0, s3;
	s0 =	sld [smem:$0x3FAD]  }
0x30: {  	s3 =	sld [smem:$0x3FB0]  }
0x31: {  	[smem:$0x3FB9] =	sst s10  }
0x32: {  	s10 =	sld [smem:$0x3FB7];
	_ =	sdelay $0x3  }
0x33: {  	p0 =	seq.s32 s10, $0x1;
	s10 =	sld [smem:$0x3FB9];
	_ =	sdelay $0x3  }
0x34: {  	[smem:$0x3FB9] =	sst s10  }
0x35: {  	s10 =	sld [smem:$0x3FB8];
	_ =	sdelay $0x3  }
0x36: {  	p1 =	seq.s32 s10, $0x1;
	s10 =	sld [smem:$0x3FB9];
	_ =	sdelay $0x3  }
0x37: {  	[smem:$0x3FB9] =	sst s10  }
0x38: {  	s10 =	sld [smem:$0x3FBA]  }
0x39: {  	_ = 	snop;
	(pc) =	sbr.ind lr, $3  }
0x3a: {  	_ = 	snop  }
0x3b: {  	_ = 	snop  }
0x3c: {  	p2 =	seq.s32 s10, $0x1;
	s10 =	sld [smem:$0x3FB9]  }
0x3d: {  	_ =	shalt  }
0x3e: {  	_ =	shalt  }
0x3f: {  	_ =	shalt  }
0x40: {  	_ =	shalt  }
0x41: {  	_ =	shalt  }
0x42: {  	_ =	shalt  }
0x43: {  	_ =	shalt  }
0x44: {  	_ =	shalt  }
0x45: {  	_ =	shalt  }
0x46: {  	_ =	shalt  }
0x47: {  	_ =	shalt  }
0x48: {  	_ =	shalt  }
0x49: {  	_ =	shalt  }
0x4a: {  	_ =	shalt  }
0x4b: {  	_ =	shalt  }
0x4c: {  	_ =	shalt  }
0x4d: {  	_ =	shalt  }
0x4e: {  	_ =	shalt  }
0x4f: {  	_ =	shalt  }
0x50: {  	_ =	shalt  }
0x51: {  	_ =	shalt  }
0x52: {  	_ =	shalt  }
0x53: {  	_ =	shalt  }
0x54: {  	_ =	shalt  }
0x55: {  	_ =	shalt  }
0x56: {  	_ =	shalt  }
0x57: {  	_ =	shalt  }
0x58: {  	_ =	shalt  }
0x59: {  	_ =	shalt  }
0x5a: {  	_ =	shalt  }
0x5b: {  	_ =	shalt  }
0x5c: {  	_ =	shalt  }
0x5d: {  	_ =	shalt  }
0x5e: {  	_ =	shalt  }
0x5f: {  	_ =	shalt  }
0x60: {  	_ =	shalt  }
0x61: {  	_ =	shalt  }
0x62: {  	_ =	shalt  }
0x63: {  	_ =	shalt  }
0x64: {  	_ =	shalt  }
0x65: {  	_ =	shalt  }
0x66: {  	_ =	shalt  }
0x67: {  	_ =	shalt  }
0x68: {  	_ =	shalt  }
0x69: {  	_ =	shalt  }
0x6a: {  	_ =	shalt  }
0x6b: {  	_ =	shalt  }
0x6c: {  	_ =	shalt  }
0x6d: {  	_ =	shalt  }
0x6e: {  	_ =	shalt  }
0x6f: {  	_ =	shalt  }
0x70: {  	_ =	shalt  }
0x71: {  	_ =	shalt  }
0x72: {  	_ =	shalt  }
0x73: {  	_ =	shalt  }
0x74: {  	_ =	shalt  }
0x75: {  	_ =	shalt  }
0x76: {  	_ =	shalt  }
0x77: {  	_ =	shalt  }
0x78: {  	_ =	shalt  }
0x79: {  	_ =	shalt  }
0x7a: {  	_ =	shalt  }
0x7b: {  	_ =	shalt  }
0x7c: {  	_ =	shalt  }
0x7d: {  	_ =	shalt  }
0x7e: {  	_ =	shalt  }
0x7f: {  	_ =	shalt  }
0x80: {  	_ =	shalt  }
0x81: {  	_ =	shalt  }
0x82: {  	_ =	shalt  }
0x83: {  	_ =	shalt  }
0x84: {  	_ =	shalt  }
0x85: {  	_ =	shalt  }
0x86: {  	_ =	shalt  }
0x87: {  	_ =	shalt  }
.Lfunc_end0:
.L_simem_size_0:
called_computation_lowered:
.L_overlay_start_0:
0x88: {  	s2 =	sld [smem:$0x3FD9]  }
0x89: {  	s3 =	sld [smem:$0x3FFE];
	_ =	sdelay $0x1  }
0x8a: {  	s1 =	srdreg.scid  }
0x8b: {  	s0 =	sand.u32 $0x1, s1  }
0x8c: {  	s17 =	sshll.u32 s0, $0xA;
	s2 =	sadd.s32 s3, s2  }
0x8d: {  	s2 =	sadd.s32 s2, s17  }
0x8e: {  	[smem:$0x3FC5] =	sst s2  }
0x8f: {  	_ = 	snop  }
0x90: {  	s2 =	sld [smem:$0x3FD0];
	(tm) =	ssettm $0x1  }
0x91: {  	s18 =	sld [smem:$0x3FFB];
	_ =	sdelay $0x3  }
0x92: {  	_ =	strace s18  }
0x93: {  	s3 =	sld [smem:$0x3FFC];
	_ =	sdelay $0x3  }
0x94: {  	_ =	strace s3  }
0x95: {  	s3 =	sld [smem:$0x3FFD];
	_ =	sdelay $0x3  }
0x96: {  	_ =	strace s3  }
0x97: {  	_ =	strace $0x8FFFFFFF  }
0x98: {  	s19 =	sld [smem:$0x3FDB];
	_ =	sdelay $0x1  }
0x99: {  	s4 =	simm.s32 $_scs_section_size  }
0x9a: {  	s5 =	simm.s32 $_size__tile_overlayer_lowered;
	s6 =	simm.s32 $_tile_overlayer_lowered  }
0x9b: {  	s22 =	simm.s32 $0x1BFF;
	s21 =	sshll.u32 s6, $0x1;
	s3 =	sadd.s32 s4, s19  }
0x9c: {  	s7 =	simm.s32 $0x0;
	s20 =	sshll.u32 s5, $0x1;
	s5 =	sadd.s32 s21, s3  }
0x9d: {  	[timem:s7], [sflag:s22] =	dma.local [hbm:s5], s20  }
0x9e: {  	_ =	swait.ge [sflag:s22], s20  }
0x9f: {  	s4 =	ssub.s32 $0x0, s20;
	[sflag:s22] =	ssyncset.done $0x0  }
0xa0: {  	[sflag:s22] =	ssyncadd.s32 s4;
	_ =	sdelay $0x1  }
0xa1: {  	s23 =	simm.s32 $0x1B8B  }
0xa2: {  	_ =	swait.ge [sflag:s23], $0x1  }
0xa3: {  	[sflag:s23] =	ssyncset.done $0x0  }
0xa4: {  	s25 =	simm.s32 $0x1B8E;
	s24 =	sld [smem:$0x3FFE];
	[sflag:s23] =	ssyncadd.s32 $0xFFFFFFFF  }
0xa5: {  	s26 =	simm.s32 $execute0_lowered;
	[smem:$0x3FD2] =	sst s25  }
0xa6: {  	s5 =	sshll.u32 s26, $0x1;
	_ =	strace $0x80000046;
	[dreg:$0x1] =	wrdreg $0xFFFFFFFF  }
0xa7: {  	s28 =	simm.s32 $_size_execute0_lowered;
	s3 =	sadd.s32 s3, s5;
	[dreg:$0x0] =	wrdreg $0x0  }
0xa8: {  	s5 =	sshll.u32 s28, $0x1;
	[dreg:$0x2] =	wrdreg s3  }
0xa9: {  	[dreg:$0x3] =	wrdreg s5  }
0xaa: {  	[dreg:$0x4] =	wrdreg $0xC0  }
0xab: {  	_ =	task [dreg:s7], $0x5FFFF  }
0xac: {  	[dreg:$0x1] =	wrdreg $0xFFFFFFFF  }
0xad: {  	[dreg:$0x0] =	wrdreg $0x60  }
0xae: {  	[dreg:$0x2] =	wrdreg s24  }
0xaf: {  	[dreg:$0x3] =	wrdreg s2  }
0xb0: {  	[dreg:$0x4] =	wrdreg $0x9  }
0xb1: {  	_ =	task.clear_ibuf [dreg:s7], $0x5FFFF;
	_ =	strace $0x90000046  }
0xb2: {  	s29 =	simm.s32 $0x9;
	_ =	strace $0x80000048  }
0xb3: {  	_ =	swait.ge [sflag:s29], $0x1  }
0xb4: {  	[sflag:s29] =	ssyncadd.s32 $0xFFFFFFFF  }
0xb5: {  	_ =	strace $0x90000048  }
0xb6: {  	_ =	sfence  }
0xb7: {  	s30 =	sld [smem:$0x0];
	_ =	sdelay $0x2  }
0xb8: {  	s31 =	sshll.u32 s1, $0xD;
	s1 =	sshrl.u32 s1, $0x2  }
0xb9: {  	s3 =	sand.u32 $0x4000, s31;
	s1 =	sadd.s32 s1, s30  }
0xba: {  	s0 =	sor.u32 s3, s0;
	s1 =	sshll.u32 s1, $0x11  }
0xbb: {  	s0 =	sor.u32 s1, s0  }
0xbc: {  	s0 =	sadd.s32 $0x8F2B, s0  }
0xbd: {  	[sflag:s0] =	ssyncadd.remote.s32 $0x1  }
0xbe: {  	_ =	sfence.sel $0xFFFF  }
0xbf: {  	[dreg:$0x0] =	wrdreg $0xFFFFFFFF;
	(pc) =	sbr.abs _section_cstart, $3  }
0xc0: {  	[dreg:$0x1] =	wrdreg $0xFFFFFFFF  }
0xc1: {  	_ =	task.clear_ibuf [dreg:s7], $0x2FFFF;
	_ =	strace $0x9FFFFFFF  }
0xc2: {  	(tm) =	ssettm $0x7FFFFFFF  }
0xc3: {  	_ =	shalt  }
tec
execute0_lowered:
.L_overlay_start_1:
0x0: {  	(tag) =	ssettag $0x1  }
0x1: {  	s0 =	rddreg [dreg:$0x0]  }
0x2: {  	s1 =	rddreg [dreg:$0x1];
	s3 =	simm.s32 $0x0;
	s2 =	srdreg.scid  }
0x3: {  	s6 =	stileid.u32;
	s8 =	simm.s32 $0x32;
	s9 =	simm.s32 $0x4000  }
0x4: {  	s11 =	simm.s32 $0x5C00;
	s13 =	simm.s32 $0x7800;
	s15 =	simm.s32 $0x9400  }
0x5: {  	s17 =	simm.s32 $0xB000;
	s19 =	simm.s32 $0xCC00;
	s21 =	simm.s32 $0xE800  }
0x6: {  	s23 =	simm.s32 $0x10400;
	s28 =	simm.s32 $0x4;
	s29 =	simm.s32 $0x5  }
0x7: {  	s30 =	simm.s32 $0x6;
	s31 =	simm.s32 $0x7;
	s10 =	simm.s32 $0xA  }
0x8: {  	s12 =	simm.s32 $0xB;
	s14 =	simm.s32 $0xC;
	s16 =	simm.s32 $0xD  }
0x9: {  	s18 =	simm.s32 $0xE;
	s20 =	simm.s32 $0xF;
	s22 =	simm.s32 $0x10  }
0xa: {  	[smem:$0x7FF] =	sst s3;
	s2 =	sand.u32 $0x1, s2;
	s4 =	sshll.u32 s6, $0xC  }
0xb: {  	s6 =	smul.u32 $0x38000, s6;
	_ =	strace $0x80000047;
	s5 =	sshll.u32 s2, $0xB  }
0xc: {  	s24 =	ssub.s32 $0x2, s2;
	s2 =	smul.u32 $0x1C000, s2;
	s4 =	sor.u32 s5, s4  }
0xd: {  	s25 =	sshrl.u32 s24, $0x1;
	s4 =	sadd.s32 s4, s0;
	s0 =	sadd.s32 s6, s0  }
.Ltmp0:
0xe: {  	s5 =	ssub.s32 s24, s25;
	s24 =	simm.s32 $0x1;
	(pc) =	sbr.rel .LBB2_1-.Ltmp0, $4  }
0xf: {  	s25 =	simm.s32 $0x2;
	s4 =	sadd.s32 $0x400, s4;
	s0 =	sadd.s32 s2, s0  }
0x10: {  	s26 =	smax.u32 s5, $0x1;
	s2 =	simm.s32 $0x9;
	[dreg:$0x3] =	wrdreg s4  }
0x11: {  	s5 =	simm.s32 $0x0;
	[dreg:$0x4] =	wrdreg s26;
	s0 =	sadd.s32 $0x10400, s0  }
0x12: {  	s26 =	simm.s32 $0x3;
	[dreg:$0x5] =	wrdreg s0;
	s0 =	simm.s32 $0x8  }
.LBB2_4:
0x13: {  	_ =	swait.ge [sflag:s10], $0x1900  }
0x14: {  	[sflag:s10] =	ssyncset.done $0x0  }
0x15: {  	[sflag:s10] =	ssyncadd.s32 $0xFFFFE700  }
0x16: {  	_ =	swait.ge [sflag:s12], $0x1900  }
0x17: {  	[sflag:s12] =	ssyncset.done $0x0  }
0x18: {  	[sflag:s12] =	ssyncadd.s32 $0xFFFFE700  }
0x19: {  	_ =	swait.ge [sflag:s14], $0x1900  }
0x1a: {  	[sflag:s14] =	ssyncset.done $0x0  }
0x1b: {  	[sflag:s14] =	ssyncadd.s32 $0xFFFFE700  }
0x1c: {  	_ =	swait.ge [sflag:s16], $0x1900  }
0x1d: {  	[sflag:s16] =	ssyncset.done $0x0  }
0x1e: {  	[sflag:s16] =	ssyncadd.s32 $0xFFFFE700  }
0x1f: {  	_ =	swait.ge [sflag:s18], $0x1900  }
0x20: {  	[sflag:s18] =	ssyncset.done $0x0  }
0x21: {  	[sflag:s18] =	ssyncadd.s32 $0xFFFFE700  }
0x22: {  	_ =	swait.ge [sflag:s20], $0x1900  }
0x23: {  	[sflag:s20] =	ssyncset.done $0x0  }
0x24: {  	[sflag:s20] =	ssyncadd.s32 $0xFFFFE700  }
0x25: {  	_ =	swait.ge [sflag:s22], $0x1900  }
0x26: {  	s5 =	rddreg [dreg:$0x6]  }
0x27: {  	s4 =	rddreg [dreg:$0x4];
	s5 =	sadd.s32 $0x1, s5  }
0x28: {  	p0 =	sne.s32 s5, s4  }
.Ltmp1:
0x29: {  	_ = 	snop;
	(pc) =	sbr.rel @!p0 .LBB2_5-.Ltmp1, $3  }
0x2a: {  	_ =	sdelay $0x1  }
0x2b: {  	[sflag:s22] =	ssyncset.done $0x0  }
0x2c: {  	[sflag:s22] =	ssyncadd.s32 $0xFFFFE700  }
.LBB2_1:
0x2d: {  	[dreg:$0x6] =	wrdreg s5  }
0x2e: {  	s4 =	rddreg [dreg:$0x3];
	s6 =	simm.s32 $0x11  }
0x2f: {  	[tilespmem:s3], [sflag:$0x11] =	stream.linear.gather [hbm4b:s4+s3], $0x4000, $0x38;
	[tilespmem:$0x12000] =	vst v63  }
0x30: {  	_ =	swait.ge [sflag:s6], $0x4000  }
0x31: {  	[sflag:s6] =	ssyncset.done $0x0  }
0x32: {  	[sflag:s6] =	ssyncadd.s32 $0xFFFFC000  }
0x33: {  	[tilespmem:s9], [sflag:$0x1] =	stream.indirect.gather [hbm4b:s1+s8], $0x80, s3, s8, $0xb8;
	[tilespmem:$0x12000] =	vst v63  }
0x34: {  	s7 =	simm.s32 $0x80  }
0x35: {  	[tilespmem:s11], [sflag:$0x2] =	stream.indirect.gather [hbm4b:s1+s8], $0x80, s7, s8, $0xb8;
	[tilespmem:$0x12000] =	vst v63  }
0x36: {  	s5 =	simm.s32 $0x100  }
0x37: {  	[tilespmem:s13], [sflag:$0x3] =	stream.indirect.gather [hbm4b:s1+s8], $0x80, s5, s8, $0xb8;
	[tilespmem:$0x12000] =	vst v63  }
0x38: {  	s6 =	simm.s32 $0x180  }
0x39: {  	[tilespmem:s15], [sflag:$0x4] =	stream.indirect.gather [hbm4b:s1+s8], $0x80, s6, s8, $0xb8;
	[tilespmem:$0x12000] =	vst v63  }
0x3a: {  	s7 =	simm.s32 $0x200  }
0x3b: {  	[tilespmem:s17], [sflag:$0x5] =	stream.indirect.gather [hbm4b:s1+s8], $0x80, s7, s8, $0xb8;
	[tilespmem:$0x12000] =	vst v63  }
0x3c: {  	s5 =	simm.s32 $0x280  }
0x3d: {  	[tilespmem:s19], [sflag:$0x6] =	stream.indirect.gather [hbm4b:s1+s8], $0x80, s5, s8, $0xb8;
	[tilespmem:$0x12000] =	vst v63  }
0x3e: {  	s6 =	simm.s32 $0x300  }
0x3f: {  	[tilespmem:s21], [sflag:$0x7] =	stream.indirect.gather [hbm4b:s1+s8], $0x80, s6, s8, $0xb8;
	[tilespmem:$0x12000] =	vst v63  }
0x40: {  	s7 =	simm.s32 $0x380;
	s5 =	simm.s32 $0x0;
	s6 =	rddreg [dreg:$0x5]  }
0x41: {  	[tilespmem:s23], [sflag:$0x8] =	stream.indirect.gather [hbm4b:s1+s8], $0x80, s7, s8, $0xb8;
	[tilespmem:$0x12000] =	vst v63  }
.LBB2_2:
0x42: {  	_ =	swait.ge [sflag:s24], $0x1900  }
0x43: {  	[sflag:s24] =	ssyncset.done $0x0  }
0x44: {  	[sflag:s24] =	ssyncadd.s32 $0xFFFFE700  }
0x45: {  	[hbm4b:s6+s3] =	stream.linear.scatter [tilespmem:s9], [sflag:$0x9], $0x1900, $0x38;
	[tilespmem:$0x12000] =	vst v63  }
0x46: {  	_ =	swait.ge [sflag:s25], $0x1900  }
0x47: {  	[sflag:s25] =	ssyncset.done $0x0  }
0x48: {  	s7 =	sadd.s32 $0x380, s6;
	[sflag:s25] =	ssyncadd.s32 $0xFFFFE700  }
0x49: {  	[hbm4b:s7+s3] =	stream.linear.scatter [tilespmem:s11], [sflag:$0xA], $0x1900, $0x38;
	[tilespmem:$0x12000] =	vst v63  }
0x4a: {  	_ =	swait.ge [sflag:s26], $0x1900  }
0x4b: {  	[sflag:s26] =	ssyncset.done $0x0  }
0x4c: {  	s4 =	sadd.s32 $0x700, s6;
	[sflag:s26] =	ssyncadd.s32 $0xFFFFE700  }
0x4d: {  	[hbm4b:s4+s3] =	stream.linear.scatter [tilespmem:s13], [sflag:$0xB], $0x1900, $0x38;
	[tilespmem:$0x12000] =	vst v63  }
0x4e: {  	_ =	swait.ge [sflag:s28], $0x1900  }
0x4f: {  	[sflag:s28] =	ssyncset.done $0x0  }
0x50: {  	s4 =	sadd.s32 $0xA80, s6;
	[sflag:s28] =	ssyncadd.s32 $0xFFFFE700  }
0x51: {  	[hbm4b:s4+s3] =	stream.linear.scatter [tilespmem:s15], [sflag:$0xC], $0x1900, $0x38;
	[tilespmem:$0x12000] =	vst v63  }
0x52: {  	_ =	swait.ge [sflag:s29], $0x1900  }
0x53: {  	[sflag:s29] =	ssyncset.done $0x0  }
0x54: {  	s4 =	sadd.s32 $0xE00, s6;
	[sflag:s29] =	ssyncadd.s32 $0xFFFFE700  }
0x55: {  	[hbm4b:s4+s3] =	stream.linear.scatter [tilespmem:s17], [sflag:$0xD], $0x1900, $0x38;
	[tilespmem:$0x12000] =	vst v63  }
0x56: {  	_ =	swait.ge [sflag:s30], $0x1900  }
0x57: {  	[sflag:s30] =	ssyncset.done $0x0  }
0x58: {  	s4 =	sadd.s32 $0x1180, s6;
	[sflag:s30] =	ssyncadd.s32 $0xFFFFE700  }
0x59: {  	[hbm4b:s4+s3] =	stream.linear.scatter [tilespmem:s19], [sflag:$0xE], $0x1900, $0x38;
	[tilespmem:$0x12000] =	vst v63  }
0x5a: {  	_ =	swait.ge [sflag:s31], $0x1900  }
0x5b: {  	[sflag:s31] =	ssyncset.done $0x0  }
0x5c: {  	s4 =	sadd.s32 $0x1500, s6;
	[sflag:s31] =	ssyncadd.s32 $0xFFFFE700  }
0x5d: {  	[hbm4b:s4+s3] =	stream.linear.scatter [tilespmem:s21], [sflag:$0xF], $0x1900, $0x38;
	[tilespmem:$0x12000] =	vst v63  }
0x5e: {  	_ =	swait.ge [sflag:s0], $0x1900  }
0x5f: {  	p0 =	seq.s32 s5, $0xF000;
	[sflag:s0] =	ssyncset.done $0x0  }
.Ltmp2:
0x60: {  	s4 =	sadd.s32 $0x1880, s6;
	[sflag:s0] =	ssyncadd.s32 $0xFFFFE700;
	(pc) =	sbr.rel @p0 .LBB2_4-.Ltmp2, $4  }
0x61: {  	[hbm4b:s4+s3] =	stream.linear.scatter [tilespmem:s23], [sflag:$0x10], $0x1900, $0x38;
	[tilespmem:$0x12000] =	vst v63  }
0x62: {  	_ =	swait.ge [sflag:s2], $0x1900  }
0x63: {  	[sflag:s2] =	ssyncset.done $0x0  }
0x64: {  	[sflag:s2] =	ssyncadd.s32 $0xFFFFE700  }
0x65: {  	s7 =	sshra.s32 s5, $0x2  }
0x66: {  	s4 =	sadd.s32 $0x400, s7  }
0x67: {  	[tilespmem:s9], [sflag:$0x1] =	stream.indirect.gather [hbm4b:s1+s8], $0x80, s4, s8, $0xb8;
	[tilespmem:$0x12000] =	vst v63  }
0x68: {  	_ =	swait.ge [sflag:s10], $0x1900  }
0x69: {  	[sflag:s10] =	ssyncset.done $0x0  }
0x6a: {  	s4 =	sadd.s32 $0x480, s7;
	[sflag:s10] =	ssyncadd.s32 $0xFFFFE700  }
0x6b: {  	[tilespmem:s11], [sflag:$0x2] =	stream.indirect.gather [hbm4b:s1+s8], $0x80, s4, s8, $0xb8;
	[tilespmem:$0x12000] =	vst v63  }
0x6c: {  	_ =	swait.ge [sflag:s12], $0x1900  }
0x6d: {  	[sflag:s12] =	ssyncset.done $0x0  }
0x6e: {  	s4 =	sadd.s32 $0x500, s7;
	[sflag:s12] =	ssyncadd.s32 $0xFFFFE700  }
0x6f: {  	[tilespmem:s13], [sflag:$0x3] =	stream.indirect.gather [hbm4b:s1+s8], $0x80, s4, s8, $0xb8;
	[tilespmem:$0x12000] =	vst v63  }
0x70: {  	_ =	swait.ge [sflag:s14], $0x1900  }
0x71: {  	[sflag:s14] =	ssyncset.done $0x0  }
0x72: {  	s4 =	sadd.s32 $0x580, s7;
	[sflag:s14] =	ssyncadd.s32 $0xFFFFE700  }
0x73: {  	[tilespmem:s15], [sflag:$0x4] =	stream.indirect.gather [hbm4b:s1+s8], $0x80, s4, s8, $0xb8;
	[tilespmem:$0x12000] =	vst v63  }
0x74: {  	_ =	swait.ge [sflag:s16], $0x1900  }
0x75: {  	[sflag:s16] =	ssyncset.done $0x0  }
0x76: {  	s4 =	sadd.s32 $0x600, s7;
	[sflag:s16] =	ssyncadd.s32 $0xFFFFE700  }
0x77: {  	[tilespmem:s17], [sflag:$0x5] =	stream.indirect.gather [hbm4b:s1+s8], $0x80, s4, s8, $0xb8;
	[tilespmem:$0x12000] =	vst v63  }
0x78: {  	_ =	swait.ge [sflag:s18], $0x1900  }
0x79: {  	[sflag:s18] =	ssyncset.done $0x0  }
0x7a: {  	s4 =	sadd.s32 $0x680, s7;
	[sflag:s18] =	ssyncadd.s32 $0xFFFFE700  }
0x7b: {  	[tilespmem:s19], [sflag:$0x6] =	stream.indirect.gather [hbm4b:s1+s8], $0x80, s4, s8, $0xb8;
	[tilespmem:$0x12000] =	vst v63  }
0x7c: {  	_ =	swait.ge [sflag:s20], $0x1900  }
0x7d: {  	[sflag:s20] =	ssyncset.done $0x0  }
0x7e: {  	s4 =	sadd.s32 $0x700, s7;
	[sflag:s20] =	ssyncadd.s32 $0xFFFFE700  }
0x7f: {  	[tilespmem:s21], [sflag:$0x7] =	stream.indirect.gather [hbm4b:s1+s8], $0x80, s4, s8, $0xb8;
	[tilespmem:$0x12000] =	vst v63  }
.Ltmp3:
0x80: {  	_ = 	snop;
	(pc) =	sbr.rel .LBB2_2-.Ltmp3, $4  }
0x81: {  	_ =	swait.ge [sflag:s22], $0x1900  }
0x82: {  	s5 =	sadd.s32 $0x1000, s5;
	[sflag:s22] =	ssyncset.done $0x0  }
0x83: {  	s6 =	sadd.s32 $0x1C00, s6;
	s7 =	sadd.s32 $0x780, s7;
	[sflag:s22] =	ssyncadd.s32 $0xFFFFE700  }
0x84: {  	[tilespmem:s23], [sflag:$0x8] =	stream.indirect.gather [hbm4b:s1+s8], $0x80, s7, s8, $0xb8;
	[tilespmem:$0x12000] =	vst v63  }
.LBB2_5:
0x85: {  	_ =	sfence.sel $0x180000  }
0x86: {  	[bflag:$0x0] =	sbarrier.arrive $0xFFFF  }
0x87: {  	_ =	strace $0x90000047  }
0x88: {  	s0 =	stileid.u32;
	[bflag:$0x2] =	sbarrier.arrive $0xFFFF  }
0x89: {  	p0 =	sne.s32 s0, $0x0;
	s0 =	rddreg [dreg:$0x2]  }
0x8a: {  	s0 =	sadd.s32 @!p0 $0x100000, s0  }
0x8b: {  	[sflag:s0] =	ssyncadd.tile.s32 @!p0 $0x1;
	_ =	shalt  }
.Lfunc_end2:
_tile_overlayer_lowered:
.L_overlay_start_2:
0x8c: {  	(tag) =	ssettag $0x2  }
0x8d: {  	s0 =	rddreg [dreg:$0x0];
	s2 =	stileid.u32  }
0x8e: {  	s1 =	rddreg [dreg:$0x1];
	p0 =	sne.s32 s2, $0x0  }
0x8f: {  	s3 =	rddreg [dreg:$0x2];
	[bflag:$0x3] =	sbarrier.arrive $0xFFFF;
	s2 =	simm.s32 @!p0 $0x1C11  }
0x90: {  	[timem:s3], [sflag:s2] =	dma.local @!p0 [hbm:s0], s1  }
0x91: {  	s0 =	simm.s32 @!p0 $0x11  }
0x92: {  	_ =	swait.ge @!p0 [sflag:s0], s1  }
0x93: {  	s1 =	ssub.s32 @!p0 $0x0, s1;
	[sflag:s0] =	ssyncset.done @!p0 $0x0  }
0x94: {  	[sflag:s0] =	ssyncadd.s32 @!p0 s1  }
0x95: {  	[bflag:$0x3] =	sbarrier.arrive $0xFFFF  }
0x96: {  	_ =	shalt  }

</sc_bundles>
